<compile_context>
chip_gen: v7x
topology: tpu7x:2x2x1
jax: 0.10.2.dev20260603
libtpu: 0.0.44.dev20260713+nightly
codegen_flags: <defaults>
</compile_context>

<pallas_src>
import functools

import jax
import jax.numpy as jnp
from jax import lax
from jax.experimental import pallas as pl
from jax.experimental.pallas import tpu as pltpu
from jax.experimental.pallas import tpu_sc as plsc

DHAT = 0.05
DHAT2 = DHAT * DHAT
INV_DHAT2 = 1.0 / DHAT2

N_CORES = 2
N_SUBCORES = 16
N_TILES = N_CORES * N_SUBCORES
LANES = 16

CAND_PER_TILE = 6400
GATHER_W = 128
N_GATHERS = CAND_PER_TILE // GATHER_W
N_ITERS = CAND_PER_TILE // (2 * LANES)
HALF = CAND_PER_TILE // 2

TAB_SLICE = 3136
TAB_PAD = N_SUBCORES * TAB_SLICE


def _ln(x):
    xi = plsc.bitcast(x, jnp.int32)
    e = ((xi >> 23) & 0xFF) - 127
    m = plsc.bitcast((xi & 0x7FFFFF) | 0x3F800000, jnp.float32)
    big = m > 1.4142135
    m = jnp.where(big, m * 0.5, m)
    ef = e.astype(jnp.float32) + jnp.where(big, 1.0, 0.0)
    t = (m - 1.0) / (m + 1.0)
    t2 = t * t
    p = t * (2.0 + t2 * (0.6666667 + t2 * (0.4 + t2 * (0.2857143 + t2 * 0.22222223))))
    return ef * 0.6931472 + p


def _make_sc_kernel(n_cands):
    mesh = plsc.VectorSubcoreMesh(core_axis_name="c", subcore_axis_name="s")

    @functools.partial(
        pl.kernel,
        out_type=jax.ShapeDtypeStruct((N_TILES, LANES), jnp.float32),
        mesh=mesh,
        scratch_types=[
            pltpu.VMEM((TAB_PAD,), jnp.float32),
            pltpu.VMEM((TAB_PAD,), jnp.float32),
            pltpu.VMEM((TAB_SLICE,), jnp.float32),
            pltpu.VMEM((TAB_SLICE,), jnp.float32),
            pltpu.VMEM((HALF,), jnp.int32),
            pltpu.VMEM((CAND_PER_TILE,), jnp.int32),
            pltpu.VMEM((CAND_PER_TILE,), jnp.int32),
            pltpu.VMEM((LANES,), jnp.float32),
            pltpu.VMEM_SHARED((TAB_PAD,), jnp.float32),
            pltpu.VMEM_SHARED((TAB_PAD,), jnp.float32),
            pltpu.SemaphoreType.DMA,
            pltpu.SemaphoreType.DMA,
        ],
        compiler_params=pltpu.CompilerParams(
            needs_layout_passes=False, use_tc_tiling_on_sc=False),
    )
    def sck(restx_hbm, resty_hbm, ux_hbm, uy_hbm, epk_hbm, cvp_hbm, ce_hbm,
            out_hbm, currx_v, curry_v, ubufx_v, ubufy_v, cv_v, ce_v, epk_v,
            acc_v, currx_sh, curry_sh, sem_g, sem_s):
        c = lax.axis_index("c")
        s = lax.axis_index("s")
        wid = s * N_CORES + c
        myoff = s * TAB_SLICE
        sl = pl.ds(myoff, TAB_SLICE)

        with jax.named_scope("stage"):
            stage = [
                pltpu.make_async_copy(cvp_hbm.at[wid], cv_v, sem_s),
                pltpu.make_async_copy(ce_hbm.at[wid], ce_v, sem_s),
                pltpu.make_async_copy(restx_hbm.at[sl], currx_v.at[sl], sem_s),
                pltpu.make_async_copy(resty_hbm.at[sl], curry_v.at[sl], sem_s),
                pltpu.make_async_copy(ux_hbm.at[sl], ubufx_v, sem_s),
                pltpu.make_async_copy(uy_hbm.at[sl], ubufy_v, sem_s),
            ]
            for d in stage:
                d.start()
            for d in stage:
                d.wait()

        with jax.named_scope("fire_gathers"):
            @pl.loop(0, N_GATHERS)
            def _(k):
                pltpu.make_async_copy(
                    epk_hbm.at[ce_v.at[pl.ds(k * GATHER_W, GATHER_W)]],
                    epk_v.at[pl.ds(k * GATHER_W, GATHER_W)], sem_g).start()

        with jax.named_scope("build_slices"):
            @pl.loop(0, TAB_SLICE // LANES)
            def _(j):
                d = pl.ds(myoff + j * LANES, LANES)
                b = pl.ds(j * LANES, LANES)
                currx_v[d] = currx_v[d] + ubufx_v[b]
                curry_v[d] = curry_v[d] + ubufy_v[b]

            pltpu.sync_copy(currx_v.at[sl], currx_sh.at[sl])
            pltpu.sync_copy(curry_v.at[sl], curry_sh.at[sl])

        with jax.named_scope("barrier"):
            plsc.subcore_barrier()
        with jax.named_scope("broadcast"):
            pltpu.sync_copy(currx_sh, currx_v)
            pltpu.sync_copy(curry_sh, curry_v)

        with jax.named_scope("drain_gathers"):
            @pl.loop(0, N_GATHERS)
            def _(k):
                pltpu.make_async_copy(
                    epk_hbm.at[ce_v.at[pl.ds(k * GATHER_W, GATHER_W)]],
                    epk_v.at[pl.ds(k * GATHER_W, GATHER_W)], sem_g).wait()

        lanes = lax.iota(jnp.int32, LANES)
        base_g = wid * CAND_PER_TILE

        def contrib(cv, pk, g):
            e0i = pk & 0xFFFF
            e1i = (pk >> 16) & 0xFFFF
            px = plsc.load_gather(currx_v, [cv])
            py = plsc.load_gather(curry_v, [cv])
            e0x = plsc.load_gather(currx_v, [e0i])
            e0y = plsc.load_gather(curry_v, [e0i])
            e1x = plsc.load_gather(currx_v, [e1i])
            e1y = plsc.load_gather(curry_v, [e1i])

            dex = e1x - e0x
            dey = e1y - e0y
            dd = jnp.maximum(dex * dex + dey * dey, 1e-12)
            qx = px - e0x
            qy = py - e0y
            t = (qx * dex + qy * dey) / dd
            t = jnp.minimum(jnp.maximum(t, 0.0), 1.0)
            cx = e0x + t * dex
            cy = e0y + t * dey
            dx = px - cx
            dy = py - cy
            d2 = dx * dx + dy * dy

            active = (d2 < DHAT2) & (d2 > 0.0)
            d2s = jnp.where(active, d2, DHAT2)
            diff = d2s - DHAT2
            b = -(diff * diff) * _ln(d2s * INV_DHAT2)
            return jnp.where(active & (g < n_cands), b, 0.0)

        with jax.named_scope("mainloop"):
            @plsc.parallel_loop(0, N_ITERS, unroll=2,
                                carry=jnp.zeros((LANES,), jnp.float32))
            def acc(j, acc_in):
                jb = j * LANES
                cvp = cv_v[pl.ds(jb, LANES)]
                pk_lo = epk_v[pl.ds(jb, LANES)]
                pk_hi = epk_v[pl.ds(HALF + jb, LANES)]
                b_lo = contrib(cvp & 0xFFFF, pk_lo, base_g + jb + lanes)
                b_hi = contrib((cvp >> 16) & 0xFFFF, pk_hi,
                               base_g + HALF + jb + lanes)
                return acc_in + b_lo + b_hi

            acc_v[...] = acc
        pltpu.sync_copy(acc_v, out_hbm.at[wid])

    return sck


def kernel(U, rest, edges, cand_v, cand_e):
    n_verts = rest.shape[0]
    n_cands = cand_v.shape[0]
    pad_v = TAB_PAD - n_verts
    restx = jnp.pad(rest[:, 0], (0, pad_v))
    resty = jnp.pad(rest[:, 1], (0, pad_v))
    ux = jnp.pad(U[:, 0], (0, pad_v))
    uy = jnp.pad(U[:, 1], (0, pad_v))
    epk = edges[:, 0] | (edges[:, 1] << 16)
    pad_c = N_TILES * CAND_PER_TILE - n_cands
    cv2 = jnp.pad(cand_v, (0, pad_c)).reshape(N_TILES, 2, HALF)
    cvp = cv2[:, 0] | (cv2[:, 1] << 16)
    ce = jnp.pad(cand_e, (0, pad_c)).reshape(N_TILES, CAND_PER_TILE)
    out = _make_sc_kernel(n_cands)(restx, resty, ux, uy, epk, cvp, ce)
    return jnp.sum(out)

# --- scband reference (transcript-rebuilt; emitter-appended) ---
"""Pipeline reference for scband-ipctkcontact-76493367542204 (READ-ONLY COPY).

The authoritative reference and input builder live on the scoring server;
editing this copy changes nothing except your own understanding.
"""

import jax, jax.numpy as jnp
import numpy as np

DHAT = 0.05  # matches init kwarg dhat

N_VERTS = 50000
N_EDGES = 100000
N_CANDS = 200000


def setup_inputs(seed: int = 0) -> dict:
    key = jax.random.key(seed)
    k1, k2, k3, k4, k5 = jax.random.split(key, 5)
    # rest positions of the collision mesh (2D), unit square
    rest = jax.random.uniform(k1, (N_VERTS, 2), dtype=jnp.float32)
    # nodal displacements U (small, as in a quasi-static solve step)
    U = jax.random.normal(k2, (N_VERTS, 2), dtype=jnp.float32) * 1e-3
    # collision-mesh edges (endpoint vertex indices)
    edges = jax.random.randint(k3, (N_EDGES, 2), 0, N_VERTS, dtype=jnp.int32)
    # broad-phase vertex-edge collision candidates (what ipctk.Collisions.build produces)
    cand_v = jax.random.randint(k4, (N_CANDS,), 0, N_VERTS, dtype=jnp.int32)
    cand_e = jax.random.randint(k5, (N_CANDS,), 0, N_EDGES, dtype=jnp.int32)
    return {"U": U, "rest": rest, "edges": edges, "cand_v": cand_v, "cand_e": cand_e}


def _point_edge_dist_sq(p, e0, e1):
    # squared distance from point p to segment (e0, e1), 2D
    de = e1 - e0
    denom = jnp.maximum(jnp.sum(de * de, axis=-1), 1e-12)
    t = jnp.clip(jnp.sum((p - e0) * de, axis=-1) / denom, 0.0, 1.0)
    closest = e0 + t[:, None] * de
    diff = p - closest
    return jnp.sum(diff * diff, axis=-1)


def _barrier(d2, dhat2):
    # IPC barrier on squared distance: b(d) = -(d - dhat)^2 * ln(d / dhat), 0 < d < dhat
    active = (d2 < dhat2) & (d2 > 0.0)
    d2_safe = jnp.where(active, d2, dhat2)  # double-where trick for safe log/grad
    b = -(d2_safe - dhat2) ** 2 * jnp.log(d2_safe / dhat2)
    return jnp.where(active, b, 0.0)


def reference(U, rest, edges, cand_v, cand_e):
    # _energy: curr_coords = U + rest (first 2 coords); barrier potential over collisions
    curr = rest + U
    p = curr[cand_v]                 # gather point positions
    e0 = curr[edges[cand_e, 0]]      # gather edge endpoint 0
    e1 = curr[edges[cand_e, 1]]      # gather edge endpoint 1
    d2 = _point_edge_dist_sq(p, e0, e1)
    dhat2 = jnp.float32(DHAT * DHAT)
    barrier_energy = jnp.sum(_barrier(d2, dhat2))
    return barrier_energy

if __name__ == "__main__":
    import jax
    _d = setup_inputs()
    print(jax.jit(kernel)(*tuple(_d.values())))

</pallas_src>

<mosaic_0001>
#map = affine_map<(d0, d1) -> (0)>
#map1 = affine_map<(d0, d1) -> (0, 0)>
module attributes {stable_mosaic.version = 14 : i64} {
  func.func @sck(%arg0: i32, %arg1: i32, %arg2: memref<50176xf32, #tpu.memory_space<hbm>>, %arg3: memref<50176xf32, #tpu.memory_space<hbm>>, %arg4: memref<50176xf32, #tpu.memory_space<hbm>>, %arg5: memref<50176xf32, #tpu.memory_space<hbm>>, %arg6: memref<100000xi32, #tpu.memory_space<hbm>>, %arg7: memref<32x3200xi32, #tpu.memory_space<hbm>>, %arg8: memref<32x6400xi32, #tpu.memory_space<hbm>>, %arg9: memref<32x16xf32, #tpu.memory_space<hbm>>, %arg10: memref<50176xf32, #tpu.memory_space<vmem>>, %arg11: memref<50176xf32, #tpu.memory_space<vmem>>, %arg12: memref<3136xf32, #tpu.memory_space<vmem>>, %arg13: memref<3136xf32, #tpu.memory_space<vmem>>, %arg14: memref<3200xi32, #tpu.memory_space<vmem>>, %arg15: memref<6400xi32, #tpu.memory_space<vmem>>, %arg16: memref<6400xi32, #tpu.memory_space<vmem>>, %arg17: memref<16xf32, #tpu.memory_space<vmem>>, %arg18: memref<50176xf32, #tpu.memory_space<vmem_shared>>, %arg19: memref<50176xf32, #tpu.memory_space<vmem_shared>>, %arg20: memref<!tpu.dma_semaphore, #tpu.memory_space<semaphore_mem>>, %arg21: memref<!tpu.dma_semaphore, #tpu.memory_space<semaphore_mem>>) attributes {dimension_semantics = [#tpu.dimension_semantics<core_parallel>, #tpu.dimension_semantics<subcore_parallel>], iteration_bounds = array<i64: 2, 16>, scalar_prefetch = 0 : i64, scratch_operands = 12 : i64, tpu.core_type = #tpu.core_type<sc_vector_subcore>, window_params = [{transform_indices = #map}, {transform_indices = #map}, {transform_indices = #map}, {transform_indices = #map}, {transform_indices = #map}, {transform_indices = #map1}, {transform_indices = #map1}, {transform_indices = #map1}]} {
    %mul3A = arith.constant 2 : i32
    %mul3A_0 = arith.muli %arg1, %mul3A : i32
    %add3A = arith.addi %mul3A_0, %arg0 : i32
    %mul3A_1 = arith.constant 3136 : i32
    %mul3A_2 = arith.muli %arg1, %mul3A_1 : i32
    "tpu.trace_start"() <{level = 10 : i32, message = "stage"}> : () -> ()
    %dma_start3A = arith.constant 0 : i32
    %dma_start3A_3 = tpu.memref_slice %arg7[%add3A, %dma_start3A] : memref<32x3200xi32, #tpu.memory_space<hbm>> -> memref<1x3200xi32, #tpu.memory_space<hbm>>
    %dma_start3A_4 = tpu.memref_squeeze %dma_start3A_3 : memref<1x3200xi32, #tpu.memory_space<hbm>> -> memref<3200xi32, #tpu.memory_space<hbm>>
    %dma_start3A_5 = arith.constant 0 : i32
    %dma_start3A_6 = tpu.memref_slice %arg7[%add3A, %dma_start3A_5] : memref<32x3200xi32, #tpu.memory_space<hbm>> -> memref<1x3200xi32, #tpu.memory_space<hbm>>
    %dma_start3A_7 = tpu.memref_squeeze %dma_start3A_6 : memref<1x3200xi32, #tpu.memory_space<hbm>> -> memref<3200xi32, #tpu.memory_space<hbm>>
    tpu.enqueue_dma source(%dma_start3A_7 : memref<3200xi32, #tpu.memory_space<hbm>>) target(%arg14 : memref<3200xi32, #tpu.memory_space<vmem>>) target_semaphore(%arg21 : memref<!tpu.dma_semaphore, #tpu.memory_space<semaphore_mem>>)
    %dma_start3A_8 = arith.constant 0 : i32
    %dma_start3A_9 = tpu.memref_slice %arg8[%add3A, %dma_start3A_8] : memref<32x6400xi32, #tpu.memory_space<hbm>> -> memref<1x6400xi32, #tpu.memory_space<hbm>>
    %dma_start3A_10 = tpu.memref_squeeze %dma_start3A_9 : memref<1x6400xi32, #tpu.memory_space<hbm>> -> memref<6400xi32, #tpu.memory_space<hbm>>
    %dma_start3A_11 = arith.constant 0 : i32
    %dma_start3A_12 = tpu.memref_slice %arg8[%add3A, %dma_start3A_11] : memref<32x6400xi32, #tpu.memory_space<hbm>> -> memref<1x6400xi32, #tpu.memory_space<hbm>>
    %dma_start3A_13 = tpu.memref_squeeze %dma_start3A_12 : memref<1x6400xi32, #tpu.memory_space<hbm>> -> memref<6400xi32, #tpu.memory_space<hbm>>
    tpu.enqueue_dma source(%dma_start3A_13 : memref<6400xi32, #tpu.memory_space<hbm>>) target(%arg15 : memref<6400xi32, #tpu.memory_space<vmem>>) target_semaphore(%arg21 : memref<!tpu.dma_semaphore, #tpu.memory_space<semaphore_mem>>)
    %dma_start3A_14 = tpu.memref_slice %arg10[%mul3A_2] : memref<50176xf32, #tpu.memory_space<vmem>> -> memref<3136xf32, #tpu.memory_space<vmem>>
    %dma_start3A_15 = tpu.memref_slice %arg2[%mul3A_2] : memref<50176xf32, #tpu.memory_space<hbm>> -> memref<3136xf32, #tpu.memory_space<hbm>>
    %dma_start3A_16 = tpu.memref_slice %arg10[%mul3A_2] : memref<50176xf32, #tpu.memory_space<vmem>> -> memref<3136xf32, #tpu.memory_space<vmem>>
    %dma_start3A_17 = tpu.memref_slice %arg2[%mul3A_2] : memref<50176xf32, #tpu.memory_space<hbm>> -> memref<3136xf32, #tpu.memory_space<hbm>>
    tpu.enqueue_dma source(%dma_start3A_17 : memref<3136xf32, #tpu.memory_space<hbm>>) target(%dma_start3A_16 : memref<3136xf32, #tpu.memory_space<vmem>>) target_semaphore(%arg21 : memref<!tpu.dma_semaphore, #tpu.memory_space<semaphore_mem>>)
    %dma_start3A_18 = tpu.memref_slice %arg11[%mul3A_2] : memref<50176xf32, #tpu.memory_space<vmem>> -> memref<3136xf32, #tpu.memory_space<vmem>>
    %dma_start3A_19 = tpu.memref_slice %arg3[%mul3A_2] : memref<50176xf32, #tpu.memory_space<hbm>> -> memref<3136xf32, #tpu.memory_space<hbm>>
    %dma_start3A_20 = tpu.memref_slice %arg11[%mul3A_2] : memref<50176xf32, #tpu.memory_space<vmem>> -> memref<3136xf32, #tpu.memory_space<vmem>>
    %dma_start3A_21 = tpu.memref_slice %arg3[%mul3A_2] : memref<50176xf32, #tpu.memory_space<hbm>> -> memref<3136xf32, #tpu.memory_space<hbm>>
    tpu.enqueue_dma source(%dma_start3A_21 : memref<3136xf32, #tpu.memory_space<hbm>>) target(%dma_start3A_20 : memref<3136xf32, #tpu.memory_space<vmem>>) target_semaphore(%arg21 : memref<!tpu.dma_semaphore, #tpu.memory_space<semaphore_mem>>)
    %dma_start3A_22 = tpu.memref_slice %arg4[%mul3A_2] : memref<50176xf32, #tpu.memory_space<hbm>> -> memref<3136xf32, #tpu.memory_space<hbm>>
    %dma_start3A_23 = tpu.memref_slice %arg4[%mul3A_2] : memref<50176xf32, #tpu.memory_space<hbm>> -> memref<3136xf32, #tpu.memory_space<hbm>>
    tpu.enqueue_dma source(%dma_start3A_23 : memref<3136xf32, #tpu.memory_space<hbm>>) target(%arg12 : memref<3136xf32, #tpu.memory_space<vmem>>) target_semaphore(%arg21 : memref<!tpu.dma_semaphore, #tpu.memory_space<semaphore_mem>>)
    %dma_start3A_24 = tpu.memref_slice %arg5[%mul3A_2] : memref<50176xf32, #tpu.memory_space<hbm>> -> memref<3136xf32, #tpu.memory_space<hbm>>
    %dma_start3A_25 = tpu.memref_slice %arg5[%mul3A_2] : memref<50176xf32, #tpu.memory_space<hbm>> -> memref<3136xf32, #tpu.memory_space<hbm>>
    tpu.enqueue_dma source(%dma_start3A_25 : memref<3136xf32, #tpu.memory_space<hbm>>) target(%arg13 : memref<3136xf32, #tpu.memory_space<vmem>>) target_semaphore(%arg21 : memref<!tpu.dma_semaphore, #tpu.memory_space<semaphore_mem>>)
    %dma_wait3A = arith.constant 0 : i32
    %dma_wait3A_26 = tpu.memref_slice %arg7[%add3A, %dma_wait3A] : memref<32x3200xi32, #tpu.memory_space<hbm>> -> memref<1x3200xi32, #tpu.memory_space<hbm>>
    %dma_wait3A_27 = tpu.memref_squeeze %dma_wait3A_26 : memref<1x3200xi32, #tpu.memory_space<hbm>> -> memref<3200xi32, #tpu.memory_space<hbm>>
    %dma_wait3A_28 = arith.constant 0 : i32
    %dma_wait3A_29 = tpu.memref_slice %arg7[%add3A, %dma_wait3A_28] : memref<32x3200xi32, #tpu.memory_space<hbm>> -> memref<1x3200xi32, #tpu.memory_space<hbm>>
    %dma_wait3A_30 = tpu.memref_squeeze %dma_wait3A_29 : memref<1x3200xi32, #tpu.memory_space<hbm>> -> memref<3200xi32, #tpu.memory_space<hbm>>
    tpu.wait_dma2 semaphore(%arg21 : memref<!tpu.dma_semaphore, #tpu.memory_space<semaphore_mem>>) src(%dma_wait3A_30 : memref<3200xi32, #tpu.memory_space<hbm>>) dst(%arg14 : memref<3200xi32, #tpu.memory_space<vmem>>)
    %dma_wait3A_31 = arith.constant 0 : i32
    %dma_wait3A_32 = tpu.memref_slice %arg8[%add3A, %dma_wait3A_31] : memref<32x6400xi32, #tpu.memory_space<hbm>> -> memref<1x6400xi32, #tpu.memory_space<hbm>>
    %dma_wait3A_33 = tpu.memref_squeeze %dma_wait3A_32 : memref<1x6400xi32, #tpu.memory_space<hbm>> -> memref<6400xi32, #tpu.memory_space<hbm>>
    %dma_wait3A_34 = arith.constant 0 : i32
    %dma_wait3A_35 = tpu.memref_slice %arg8[%add3A, %dma_wait3A_34] : memref<32x6400xi32, #tpu.memory_space<hbm>> -> memref<1x6400xi32, #tpu.memory_space<hbm>>
    %dma_wait3A_36 = tpu.memref_squeeze %dma_wait3A_35 : memref<1x6400xi32, #tpu.memory_space<hbm>> -> memref<6400xi32, #tpu.memory_space<hbm>>
    tpu.wait_dma2 semaphore(%arg21 : memref<!tpu.dma_semaphore, #tpu.memory_space<semaphore_mem>>) src(%dma_wait3A_36 : memref<6400xi32, #tpu.memory_space<hbm>>) dst(%arg15 : memref<6400xi32, #tpu.memory_space<vmem>>)
    %dma_wait3A_37 = tpu.memref_slice %arg10[%mul3A_2] : memref<50176xf32, #tpu.memory_space<vmem>> -> memref<3136xf32, #tpu.memory_space<vmem>>
    %dma_wait3A_38 = tpu.memref_slice %arg2[%mul3A_2] : memref<50176xf32, #tpu.memory_space<hbm>> -> memref<3136xf32, #tpu.memory_space<hbm>>
    %dma_wait3A_39 = tpu.memref_slice %arg10[%mul3A_2] : memref<50176xf32, #tpu.memory_space<vmem>> -> memref<3136xf32, #tpu.memory_space<vmem>>
    %dma_wait3A_40 = tpu.memref_slice %arg2[%mul3A_2] : memref<50176xf32, #tpu.memory_space<hbm>> -> memref<3136xf32, #tpu.memory_space<hbm>>
    tpu.wait_dma2 semaphore(%arg21 : memref<!tpu.dma_semaphore, #tpu.memory_space<semaphore_mem>>) src(%dma_wait3A_40 : memref<3136xf32, #tpu.memory_space<hbm>>) dst(%dma_wait3A_39 : memref<3136xf32, #tpu.memory_space<vmem>>)
    %dma_wait3A_41 = tpu.memref_slice %arg11[%mul3A_2] : memref<50176xf32, #tpu.memory_space<vmem>> -> memref<3136xf32, #tpu.memory_space<vmem>>
    %dma_wait3A_42 = tpu.memref_slice %arg3[%mul3A_2] : memref<50176xf32, #tpu.memory_space<hbm>> -> memref<3136xf32, #tpu.memory_space<hbm>>
    %dma_wait3A_43 = tpu.memref_slice %arg11[%mul3A_2] : memref<50176xf32, #tpu.memory_space<vmem>> -> memref<3136xf32, #tpu.memory_space<vmem>>
    %dma_wait3A_44 = tpu.memref_slice %arg3[%mul3A_2] : memref<50176xf32, #tpu.memory_space<hbm>> -> memref<3136xf32, #tpu.memory_space<hbm>>
    tpu.wait_dma2 semaphore(%arg21 : memref<!tpu.dma_semaphore, #tpu.memory_space<semaphore_mem>>) src(%dma_wait3A_44 : memref<3136xf32, #tpu.memory_space<hbm>>) dst(%dma_wait3A_43 : memref<3136xf32, #tpu.memory_space<vmem>>)
    %dma_wait3A_45 = tpu.memref_slice %arg4[%mul3A_2] : memref<50176xf32, #tpu.memory_space<hbm>> -> memref<3136xf32, #tpu.memory_space<hbm>>
    %dma_wait3A_46 = tpu.memref_slice %arg4[%mul3A_2] : memref<50176xf32, #tpu.memory_space<hbm>> -> memref<3136xf32, #tpu.memory_space<hbm>>
    tpu.wait_dma2 semaphore(%arg21 : memref<!tpu.dma_semaphore, #tpu.memory_space<semaphore_mem>>) src(%dma_wait3A_46 : memref<3136xf32, #tpu.memory_space<hbm>>) dst(%arg12 : memref<3136xf32, #tpu.memory_space<vmem>>)
    %dma_wait3A_47 = tpu.memref_slice %arg5[%mul3A_2] : memref<50176xf32, #tpu.memory_space<hbm>> -> memref<3136xf32, #tpu.memory_space<hbm>>
    %dma_wait3A_48 = tpu.memref_slice %arg5[%mul3A_2] : memref<50176xf32, #tpu.memory_space<hbm>> -> memref<3136xf32, #tpu.memory_space<hbm>>
    tpu.wait_dma2 semaphore(%arg21 : memref<!tpu.dma_semaphore, #tpu.memory_space<semaphore_mem>>) src(%dma_wait3A_48 : memref<3136xf32, #tpu.memory_space<hbm>>) dst(%arg13 : memref<3136xf32, #tpu.memory_space<vmem>>)
    "tpu.trace_stop"() : () -> ()
    "tpu.trace_start"() <{level = 10 : i32, message = "fire_gathers"}> : () -> ()
    %scan3A = arith.constant 0 : i32
    %scan3A_49 = arith.constant 50 : i32
    %scan3A_50 = arith.addi %scan3A, %scan3A_49 : i32
    %scan3A_51 = arith.constant 1 : i32
    scf.for %scan3A_70 = %scan3A to %scan3A_50 step %scan3A_51  : i32 {
      %mul3A_71 = arith.constant 1 : i32
      %mul3A_72 = arith.muli %scan3A_70, %mul3A_71 : i32
      %add3A_73 = arith.constant 0 : i32
      %add3A_74 = arith.addi %add3A_73, %mul3A_72 : i32
      %mul3A_75 = arith.constant 128 : i32
      %mul3A_76 = arith.muli %add3A_74, %mul3A_75 : i32
      %mul3A_77 = arith.constant 128 : i32
      %mul3A_78 = arith.muli %add3A_74, %mul3A_77 : i32
      %dma_start3A_79 = tpu.memref_slice %arg16[%mul3A_78] : memref<6400xi32, #tpu.memory_space<vmem>> -> memref<128xi32, #tpu.memory_space<vmem>>
      %dma_start3A_80 = tpu.memref_slice %arg15[%mul3A_76] : memref<6400xi32, #tpu.memory_space<vmem>> -> memref<128xi32, #tpu.memory_space<vmem>>
      %dma_start3A_81 = arith.constant 0 : i32
      %dma_start3A_82 = tpu.memref_slice %arg6[%dma_start3A_81] : memref<100000xi32, #tpu.memory_space<hbm>> -> memref<100000xi32, #tpu.memory_space<hbm>>
      tpu.enqueue_indirect_dma source(%dma_start3A_82 : memref<100000xi32, #tpu.memory_space<hbm>>) target(%dma_start3A_79 : memref<128xi32, #tpu.memory_space<vmem>>) offsets(%dma_start3A_80 : memref<128xi32, #tpu.memory_space<vmem>>) semaphore(%arg20 : memref<!tpu.dma_semaphore, #tpu.memory_space<semaphore_mem>>)
    }
    %scan3A_52 = arith.constant 50 : i32
    "tpu.trace_stop"() : () -> ()
    "tpu.trace_start"() <{level = 10 : i32, message = "build_slices"}> : () -> ()
    %scan3A_53 = arith.constant 0 : i32
    %scan3A_54 = arith.constant 196 : i32
    %scan3A_55 = arith.addi %scan3A_53, %scan3A_54 : i32
    %scan3A_56 = arith.constant 1 : i32
    scf.for %scan3A_70 = %scan3A_53 to %scan3A_55 step %scan3A_56  : i32 {
      %mul3A_71 = arith.constant 1 : i32
      %mul3A_72 = arith.muli %scan3A_70, %mul3A_71 : i32
      %add3A_73 = arith.constant 0 : i32
      %add3A_74 = arith.addi %add3A_73, %mul3A_72 : i32
      %mul3A_75 = arith.constant 16 : i32
      %mul3A_76 = arith.muli %add3A_74, %mul3A_75 : i32
      %add3A_77 = arith.addi %mul3A_2, %mul3A_76 : i32
      %mul3A_78 = arith.constant 16 : i32
      %mul3A_79 = arith.muli %add3A_74, %mul3A_78 : i32
      %get3A = arith.index_cast %add3A_77 : i32 to index
      %get3A_80 = tpu.vector_load %arg10[%get3A] {strides = array<i32>} : memref<50176xf32, #tpu.memory_space<vmem>>, vector<16xf32>,
      %get3A_81 = arith.index_cast %mul3A_79 : i32 to index
      %get3A_82 = tpu.vector_load %arg12[%get3A_81] {strides = array<i32>} : memref<3136xf32, #tpu.memory_space<vmem>>, vector<16xf32>,
      %add3A_83 = arith.addf %get3A_80, %get3A_82 : vector<16xf32>
      %swap3A_84 = arith.index_cast %add3A_77 : i32 to index
      %swap3A_85 = tpu.vector_load %arg10[%swap3A_84] {strides = array<i32>} : memref<50176xf32, #tpu.memory_space<vmem>>, vector<16xf32>,
      tpu.vector_store %arg10[%swap3A_84], %add3A_83 {strides = array<i32>} : memref<50176xf32, #tpu.memory_space<vmem>>, vector<16xf32>,
      %get3A_86 = arith.index_cast %add3A_77 : i32 to index
      %get3A_87 = tpu.vector_load %arg11[%get3A_86] {strides = array<i32>} : memref<50176xf32, #tpu.memory_space<vmem>>, vector<16xf32>,
      %get3A_88 = arith.index_cast %mul3A_79 : i32 to index
      %get3A_89 = tpu.vector_load %arg13[%get3A_88] {strides = array<i32>} : memref<3136xf32, #tpu.memory_space<vmem>>, vector<16xf32>,
      %add3A_90 = arith.addf %get3A_87, %get3A_89 : vector<16xf32>
      %swap3A_91 = arith.index_cast %add3A_77 : i32 to index
      %swap3A_92 = tpu.vector_load %arg11[%swap3A_91] {strides = array<i32>} : memref<50176xf32, #tpu.memory_space<vmem>>, vector<16xf32>,
      tpu.vector_store %arg11[%swap3A_91], %add3A_90 {strides = array<i32>} : memref<50176xf32, #tpu.memory_space<vmem>>, vector<16xf32>,
    }
    %scan3A_57 = arith.constant 196 : i32
    "tpu.region"() ({
      %run_scoped3A = tpu.sem_alloc : memref<!tpu.dma_semaphore, #tpu.memory_space<semaphore_mem>>
      %dma_start3A_70 = tpu.memref_slice %arg10[%mul3A_2] : memref<50176xf32, #tpu.memory_space<vmem>> -> memref<3136xf32, #tpu.memory_space<vmem>>
      %dma_start3A_71 = tpu.memref_slice %arg18[%mul3A_2] : memref<50176xf32, #tpu.memory_space<vmem_shared>> -> memref<3136xf32, #tpu.memory_space<vmem_shared>>
      %dma_start3A_72 = tpu.memref_slice %arg18[%mul3A_2] : memref<50176xf32, #tpu.memory_space<vmem_shared>> -> memref<3136xf32, #tpu.memory_space<vmem_shared>>
      %dma_start3A_73 = tpu.memref_slice %arg10[%mul3A_2] : memref<50176xf32, #tpu.memory_space<vmem>> -> memref<3136xf32, #tpu.memory_space<vmem>>
      tpu.enqueue_dma source(%dma_start3A_73 : memref<3136xf32, #tpu.memory_space<vmem>>) target(%dma_start3A_72 : memref<3136xf32, #tpu.memory_space<vmem_shared>>) target_semaphore(%run_scoped3A : memref<!tpu.dma_semaphore, #tpu.memory_space<semaphore_mem>>)
      %dma_wait3A_74 = tpu.memref_slice %arg10[%mul3A_2] : memref<50176xf32, #tpu.memory_space<vmem>> -> memref<3136xf32, #tpu.memory_space<vmem>>
      %dma_wait3A_75 = tpu.memref_slice %arg18[%mul3A_2] : memref<50176xf32, #tpu.memory_space<vmem_shared>> -> memref<3136xf32, #tpu.memory_space<vmem_shared>>
      %dma_wait3A_76 = tpu.memref_slice %arg18[%mul3A_2] : memref<50176xf32, #tpu.memory_space<vmem_shared>> -> memref<3136xf32, #tpu.memory_space<vmem_shared>>
      %dma_wait3A_77 = tpu.memref_slice %arg10[%mul3A_2] : memref<50176xf32, #tpu.memory_space<vmem>> -> memref<3136xf32, #tpu.memory_space<vmem>>
      tpu.wait_dma2 semaphore(%run_scoped3A : memref<!tpu.dma_semaphore, #tpu.memory_space<semaphore_mem>>) src(%dma_wait3A_77 : memref<3136xf32, #tpu.memory_space<vmem>>) dst(%dma_wait3A_76 : memref<3136xf32, #tpu.memory_space<vmem_shared>>)
      tpu.yield
    }) : () -> ()
    "tpu.region"() ({
      %run_scoped3A = tpu.sem_alloc : memref<!tpu.dma_semaphore, #tpu.memory_space<semaphore_mem>>
      %dma_start3A_70 = tpu.memref_slice %arg11[%mul3A_2] : memref<50176xf32, #tpu.memory_space<vmem>> -> memref<3136xf32, #tpu.memory_space<vmem>>
      %dma_start3A_71 = tpu.memref_slice %arg19[%mul3A_2] : memref<50176xf32, #tpu.memory_space<vmem_shared>> -> memref<3136xf32, #tpu.memory_space<vmem_shared>>
      %dma_start3A_72 = tpu.memref_slice %arg19[%mul3A_2] : memref<50176xf32, #tpu.memory_space<vmem_shared>> -> memref<3136xf32, #tpu.memory_space<vmem_shared>>
      %dma_start3A_73 = tpu.memref_slice %arg11[%mul3A_2] : memref<50176xf32, #tpu.memory_space<vmem>> -> memref<3136xf32, #tpu.memory_space<vmem>>
      tpu.enqueue_dma source(%dma_start3A_73 : memref<3136xf32, #tpu.memory_space<vmem>>) target(%dma_start3A_72 : memref<3136xf32, #tpu.memory_space<vmem_shared>>) target_semaphore(%run_scoped3A : memref<!tpu.dma_semaphore, #tpu.memory_space<semaphore_mem>>)
      %dma_wait3A_74 = tpu.memref_slice %arg11[%mul3A_2] : memref<50176xf32, #tpu.memory_space<vmem>> -> memref<3136xf32, #tpu.memory_space<vmem>>
      %dma_wait3A_75 = tpu.memref_slice %arg19[%mul3A_2] : memref<50176xf32, #tpu.memory_space<vmem_shared>> -> memref<3136xf32, #tpu.memory_space<vmem_shared>>
      %dma_wait3A_76 = tpu.memref_slice %arg19[%mul3A_2] : memref<50176xf32, #tpu.memory_space<vmem_shared>> -> memref<3136xf32, #tpu.memory_space<vmem_shared>>
      %dma_wait3A_77 = tpu.memref_slice %arg11[%mul3A_2] : memref<50176xf32, #tpu.memory_space<vmem>> -> memref<3136xf32, #tpu.memory_space<vmem>>
      tpu.wait_dma2 semaphore(%run_scoped3A : memref<!tpu.dma_semaphore, #tpu.memory_space<semaphore_mem>>) src(%dma_wait3A_77 : memref<3136xf32, #tpu.memory_space<vmem>>) dst(%dma_wait3A_76 : memref<3136xf32, #tpu.memory_space<vmem_shared>>)
      tpu.yield
    }) : () -> ()
    "tpu.trace_stop"() : () -> ()
    "tpu.trace_start"() <{level = 10 : i32, message = "barrier"}> : () -> ()
    %barrier3A = arith.constant 0 : index
    tpu.barrier barrier_id(%barrier3A)
    "tpu.trace_stop"() : () -> ()
    "tpu.trace_start"() <{level = 10 : i32, message = "broadcast"}> : () -> ()
    "tpu.region"() ({
      %run_scoped3A = tpu.sem_alloc : memref<!tpu.dma_semaphore, #tpu.memory_space<semaphore_mem>>
      tpu.enqueue_dma source(%arg18 : memref<50176xf32, #tpu.memory_space<vmem_shared>>) target(%arg10 : memref<50176xf32, #tpu.memory_space<vmem>>) target_semaphore(%run_scoped3A : memref<!tpu.dma_semaphore, #tpu.memory_space<semaphore_mem>>)
      tpu.wait_dma2 semaphore(%run_scoped3A : memref<!tpu.dma_semaphore, #tpu.memory_space<semaphore_mem>>) src(%arg18 : memref<50176xf32, #tpu.memory_space<vmem_shared>>) dst(%arg10 : memref<50176xf32, #tpu.memory_space<vmem>>)
      tpu.yield
    }) : () -> ()
    "tpu.region"() ({
      %run_scoped3A = tpu.sem_alloc : memref<!tpu.dma_semaphore, #tpu.memory_space<semaphore_mem>>
      tpu.enqueue_dma source(%arg19 : memref<50176xf32, #tpu.memory_space<vmem_shared>>) target(%arg11 : memref<50176xf32, #tpu.memory_space<vmem>>) target_semaphore(%run_scoped3A : memref<!tpu.dma_semaphore, #tpu.memory_space<semaphore_mem>>)
      tpu.wait_dma2 semaphore(%run_scoped3A : memref<!tpu.dma_semaphore, #tpu.memory_space<semaphore_mem>>) src(%arg19 : memref<50176xf32, #tpu.memory_space<vmem_shared>>) dst(%arg11 : memref<50176xf32, #tpu.memory_space<vmem>>)
      tpu.yield
    }) : () -> ()
    "tpu.trace_stop"() : () -> ()
    "tpu.trace_start"() <{level = 10 : i32, message = "drain_gathers"}> : () -> ()
    %scan3A_58 = arith.constant 0 : i32
    %scan3A_59 = arith.constant 50 : i32
    %scan3A_60 = arith.addi %scan3A_58, %scan3A_59 : i32
    %scan3A_61 = arith.constant 1 : i32
    scf.for %scan3A_70 = %scan3A_58 to %scan3A_60 step %scan3A_61  : i32 {
      %mul3A_71 = arith.constant 1 : i32
      %mul3A_72 = arith.muli %scan3A_70, %mul3A_71 : i32
      %add3A_73 = arith.constant 0 : i32
      %add3A_74 = arith.addi %add3A_73, %mul3A_72 : i32
      %mul3A_75 = arith.constant 128 : i32
      %mul3A_76 = arith.muli %add3A_74, %mul3A_75 : i32
      %mul3A_77 = arith.constant 128 : i32
      %mul3A_78 = arith.muli %add3A_74, %mul3A_77 : i32
      %dma_wait3A_79 = tpu.memref_slice %arg16[%mul3A_78] : memref<6400xi32, #tpu.memory_space<vmem>> -> memref<128xi32, #tpu.memory_space<vmem>>
      %dma_wait3A_80 = tpu.memref_slice %arg15[%mul3A_76] : memref<6400xi32, #tpu.memory_space<vmem>> -> memref<128xi32, #tpu.memory_space<vmem>>
      %dma_wait3A_81 = arith.constant 0 : i32
      %dma_wait3A_82 = tpu.memref_slice %arg6[%dma_wait3A_81] : memref<100000xi32, #tpu.memory_space<hbm>> -> memref<100000xi32, #tpu.memory_space<hbm>>
      tpu.wait_indirect_dma semaphore(%arg20 : memref<!tpu.dma_semaphore, #tpu.memory_space<semaphore_mem>>) src(%dma_wait3A_82 : memref<100000xi32, #tpu.memory_space<hbm>>) dst(%dma_wait3A_79 : memref<128xi32, #tpu.memory_space<vmem>>)
    }
    %scan3A_62 = arith.constant 50 : i32
    "tpu.trace_stop"() : () -> ()
    %iota3A = tpu.iota {dimensions = array<i32: 0>} : vector<16xi32>
    %mul3A_63 = arith.constant 6400 : i32
    %mul3A_64 = arith.muli %add3A, %mul3A_63 : i32
    %broadcast_in_dim3A = arith.constant 0.000000e+00 : f32
    "tpu.trace_start"() <{level = 10 : i32, message = "mainloop"}> : () -> ()
    %broadcast_in_dim3A_65 = vector.broadcast %broadcast_in_dim3A : f32 to vector<16xf32>
    %parallel_loop3A = arith.constant 0 : i32
    %parallel_loop3A_66 = arith.constant 200 : i32
    %parallel_loop3A_67 = arith.constant 1 : i32
    %parallel_loop3A_68 = scf.for %parallel_loop3A_70 = %parallel_loop3A to %parallel_loop3A_66 step %parallel_loop3A_67 iter_args(%parallel_loop3A_71 = %broadcast_in_dim3A_65) -> (vector<16xf32>)  : i32 {
      %parallel_loop3A_72 = arith.constant 16 : i32
      %parallel_loop3A_73 = arith.muli %parallel_loop3A_70, %parallel_loop3A_72 : i32
      %parallel_loop3A_74 = arith.index_cast %parallel_loop3A_73 : i32 to index
      %parallel_loop3A_75 = tpu.vector_load %arg14[%parallel_loop3A_74] {strides = array<i32>} : memref<3200xi32, #tpu.memory_space<vmem>>, vector<16xi32>,
      %parallel_loop3A_76 = arith.index_cast %parallel_loop3A_73 : i32 to index
      %parallel_loop3A_77 = tpu.vector_load %arg16[%parallel_loop3A_76] {strides = array<i32>} : memref<6400xi32, #tpu.memory_space<vmem>>, vector<16xi32>,
      %parallel_loop3A_78 = arith.constant 3200 : i32
      %parallel_loop3A_79 = arith.addi %parallel_loop3A_78, %parallel_loop3A_73 : i32
      %parallel_loop3A_80 = arith.index_cast %parallel_loop3A_79 : i32 to index
      %parallel_loop3A_81 = tpu.vector_load %arg16[%parallel_loop3A_80] {strides = array<i32>} : memref<6400xi32, #tpu.memory_space<vmem>>, vector<16xi32>,
      %parallel_loop3A_82 = arith.constant 65535 : i32
      %parallel_loop3A_83 = vector.broadcast %parallel_loop3A_82 : i32 to vector<16xi32>
      %parallel_loop3A_84 = arith.andi %parallel_loop3A_75, %parallel_loop3A_83 : vector<16xi32>
      %parallel_loop3A_85 = arith.addi %mul3A_64, %parallel_loop3A_73 : i32
      %parallel_loop3A_86 = vector.broadcast %parallel_loop3A_85 : i32 to vector<16xi32>
      %parallel_loop3A_87 = arith.addi %parallel_loop3A_86, %iota3A : vector<16xi32>
      %parallel_loop3A_88 = arith.constant 65535 : i32
      %parallel_loop3A_89 = vector.broadcast %parallel_loop3A_88 : i32 to vector<16xi32>
      %parallel_loop3A_90 = arith.andi %parallel_loop3A_77, %parallel_loop3A_89 : vector<16xi32>
      %parallel_loop3A_91 = arith.constant 16 : i32
      %parallel_loop3A_92 = vector.broadcast %parallel_loop3A_91 : i32 to vector<16xi32>
      %parallel_loop3A_93 = arith.shrsi %parallel_loop3A_77, %parallel_loop3A_92 : vector<16xi32>
      %parallel_loop3A_94 = arith.constant 65535 : i32
      %parallel_loop3A_95 = vector.broadcast %parallel_loop3A_94 : i32 to vector<16xi32>
      %parallel_loop3A_96 = arith.andi %parallel_loop3A_93, %parallel_loop3A_95 : vector<16xi32>
      %parallel_loop3A_97 = tpu.vector_load_idx %arg10[%parallel_loop3A_84] : memref<50176xf32, #tpu.memory_space<vmem>>[vector<16xi32>], vector<16xf32>,
      %parallel_loop3A_98 = tpu.vector_load_idx %arg11[%parallel_loop3A_84] : memref<50176xf32, #tpu.memory_space<vmem>>[vector<16xi32>], vector<16xf32>,
      %parallel_loop3A_99 = tpu.vector_load_idx %arg10[%parallel_loop3A_90] : memref<50176xf32, #tpu.memory_space<vmem>>[vector<16xi32>], vector<16xf32>,
      %parallel_loop3A_100 = tpu.vector_load_idx %arg11[%parallel_loop3A_90] : memref<50176xf32, #tpu.memory_space<vmem>>[vector<16xi32>], vector<16xf32>,
      %parallel_loop3A_101 = tpu.vector_load_idx %arg10[%parallel_loop3A_96] : memref<50176xf32, #tpu.memory_space<vmem>>[vector<16xi32>], vector<16xf32>,
      %parallel_loop3A_102 = tpu.vector_load_idx %arg11[%parallel_loop3A_96] : memref<50176xf32, #tpu.memory_space<vmem>>[vector<16xi32>], vector<16xf32>,
      %parallel_loop3A_103 = arith.subf %parallel_loop3A_101, %parallel_loop3A_99 : vector<16xf32>
      %parallel_loop3A_104 = arith.subf %parallel_loop3A_102, %parallel_loop3A_100 : vector<16xf32>
      %parallel_loop3A_105 = arith.mulf %parallel_loop3A_103, %parallel_loop3A_103 : vector<16xf32>
      %parallel_loop3A_106 = arith.mulf %parallel_loop3A_104, %parallel_loop3A_104 : vector<16xf32>
      %parallel_loop3A_107 = arith.addf %parallel_loop3A_105, %parallel_loop3A_106 : vector<16xf32>
      %parallel_loop3A_108 = arith.constant 9.99999996E-13 : f32
      %parallel_loop3A_109 = vector.broadcast %parallel_loop3A_108 : f32 to vector<16xf32>
      %parallel_loop3A_110 = arith.maximumf %parallel_loop3A_107, %parallel_loop3A_109 : vector<16xf32>
      %parallel_loop3A_111 = arith.subf %parallel_loop3A_97, %parallel_loop3A_99 : vector<16xf32>
      %parallel_loop3A_112 = arith.subf %parallel_loop3A_98, %parallel_loop3A_100 : vector<16xf32>
      %parallel_loop3A_113 = arith.mulf %parallel_loop3A_111, %parallel_loop3A_103 : vector<16xf32>
      %parallel_loop3A_114 = arith.mulf %parallel_loop3A_112, %parallel_loop3A_104 : vector<16xf32>
      %parallel_loop3A_115 = arith.addf %parallel_loop3A_113, %parallel_loop3A_114 : vector<16xf32>
      %parallel_loop3A_116 = arith.divf %parallel_loop3A_115, %parallel_loop3A_110 : vector<16xf32>
      %parallel_loop3A_117 = arith.constant 0.000000e+00 : f32
      %parallel_loop3A_118 = vector.broadcast %parallel_loop3A_117 : f32 to vector<16xf32>
      %parallel_loop3A_119 = arith.maximumf %parallel_loop3A_116, %parallel_loop3A_118 : vector<16xf32>
      %parallel_loop3A_120 = arith.constant 1.000000e+00 : f32
      %parallel_loop3A_121 = vector.broadcast %parallel_loop3A_120 : f32 to vector<16xf32>
      %parallel_loop3A_122 = arith.minimumf %parallel_loop3A_119, %parallel_loop3A_121 : vector<16xf32>
      %parallel_loop3A_123 = arith.mulf %parallel_loop3A_122, %parallel_loop3A_103 : vector<16xf32>
      %parallel_loop3A_124 = arith.addf %parallel_loop3A_99, %parallel_loop3A_123 : vector<16xf32>
      %parallel_loop3A_125 = arith.mulf %parallel_loop3A_122, %parallel_loop3A_104 : vector<16xf32>
      %parallel_loop3A_126 = arith.addf %parallel_loop3A_100, %parallel_loop3A_125 : vector<16xf32>
      %parallel_loop3A_127 = arith.subf %parallel_loop3A_97, %parallel_loop3A_124 : vector<16xf32>
      %parallel_loop3A_128 = arith.subf %parallel_loop3A_98, %parallel_loop3A_126 : vector<16xf32>
      %parallel_loop3A_129 = arith.mulf %parallel_loop3A_127, %parallel_loop3A_127 : vector<16xf32>
      %parallel_loop3A_130 = arith.mulf %parallel_loop3A_128, %parallel_loop3A_128 : vector<16xf32>
      %parallel_loop3A_131 = arith.addf %parallel_loop3A_129, %parallel_loop3A_130 : vector<16xf32>
      %parallel_loop3A_132 = arith.constant 2.500000e-03 : f32
      %parallel_loop3A_133 = vector.broadcast %parallel_loop3A_132 : f32 to vector<16xf32>
      %parallel_loop3A_134 = arith.cmpf olt, %parallel_loop3A_131, %parallel_loop3A_133 : vector<16xf32>
      %parallel_loop3A_135 = arith.constant 0.000000e+00 : f32
      %parallel_loop3A_136 = vector.broadcast %parallel_loop3A_135 : f32 to vector<16xf32>
      %parallel_loop3A_137 = arith.cmpf ogt, %parallel_loop3A_131, %parallel_loop3A_136 : vector<16xf32>
      %parallel_loop3A_138 = arith.andi %parallel_loop3A_134, %parallel_loop3A_137 : vector<16xi1>
      %parallel_loop3A_139 = arith.constant 2.500000e-03 : f32
      %parallel_loop3A_140 = vector.broadcast %parallel_loop3A_139 : f32 to vector<16xf32>
      %parallel_loop3A_141 = arith.select %parallel_loop3A_138, %parallel_loop3A_131, %parallel_loop3A_140 : vector<16xi1>, vector<16xf32>
      %parallel_loop3A_142 = arith.constant 2.500000e-03 : f32
      %parallel_loop3A_143 = vector.broadcast %parallel_loop3A_142 : f32 to vector<16xf32>
      %parallel_loop3A_144 = arith.subf %parallel_loop3A_141, %parallel_loop3A_143 : vector<16xf32>
      %parallel_loop3A_145 = arith.mulf %parallel_loop3A_144, %parallel_loop3A_144 : vector<16xf32>
      %parallel_loop3A_146 = arith.constant 0.000000e+00 : f32
      %parallel_loop3A_147 = vector.broadcast %parallel_loop3A_146 : f32 to vector<16xf32>
      %parallel_loop3A_148 = arith.subf %parallel_loop3A_147, %parallel_loop3A_145 : vector<16xf32>
      %parallel_loop3A_149 = arith.constant 4.000000e+02 : f32
      %parallel_loop3A_150 = vector.broadcast %parallel_loop3A_149 : f32 to vector<16xf32>
      %parallel_loop3A_151 = arith.mulf %parallel_loop3A_141, %parallel_loop3A_150 : vector<16xf32>
      %parallel_loop3A_152 = vector.bitcast %parallel_loop3A_151 : vector<16xf32> to vector<16xi32>
      %parallel_loop3A_153 = arith.constant 23 : i32
      %parallel_loop3A_154 = vector.broadcast %parallel_loop3A_153 : i32 to vector<16xi32>
      %parallel_loop3A_155 = arith.shrsi %parallel_loop3A_152, %parallel_loop3A_154 : vector<16xi32>
      %parallel_loop3A_156 = arith.constant 255 : i32
      %parallel_loop3A_157 = vector.broadcast %parallel_loop3A_156 : i32 to vector<16xi32>
      %parallel_loop3A_158 = arith.andi %parallel_loop3A_155, %parallel_loop3A_157 : vector<16xi32>
      %parallel_loop3A_159 = arith.constant 127 : i32
      %parallel_loop3A_160 = vector.broadcast %parallel_loop3A_159 : i32 to vector<16xi32>
      %parallel_loop3A_161 = arith.subi %parallel_loop3A_158, %parallel_loop3A_160 : vector<16xi32>
      %parallel_loop3A_162 = arith.constant 8388607 : i32
      %parallel_loop3A_163 = vector.broadcast %parallel_loop3A_162 : i32 to vector<16xi32>
      %parallel_loop3A_164 = arith.andi %parallel_loop3A_152, %parallel_loop3A_163 : vector<16xi32>
      %parallel_loop3A_165 = arith.constant 1065353216 : i32
      %parallel_loop3A_166 = vector.broadcast %parallel_loop3A_165 : i32 to vector<16xi32>
      %parallel_loop3A_167 = arith.ori %parallel_loop3A_164, %parallel_loop3A_166 : vector<16xi32>
      %parallel_loop3A_168 = vector.bitcast %parallel_loop3A_167 : vector<16xi32> to vector<16xf32>
      %parallel_loop3A_169 = arith.constant 1.41421354 : f32
      %parallel_loop3A_170 = vector.broadcast %parallel_loop3A_169 : f32 to vector<16xf32>
      %parallel_loop3A_171 = arith.cmpf ogt, %parallel_loop3A_168, %parallel_loop3A_170 : vector<16xf32>
      %parallel_loop3A_172 = arith.constant 5.000000e-01 : f32
      %parallel_loop3A_173 = vector.broadcast %parallel_loop3A_172 : f32 to vector<16xf32>
      %parallel_loop3A_174 = arith.mulf %parallel_loop3A_168, %parallel_loop3A_173 : vector<16xf32>
      %parallel_loop3A_175 = arith.select %parallel_loop3A_171, %parallel_loop3A_174, %parallel_loop3A_168 : vector<16xi1>, vector<16xf32>
      %parallel_loop3A_176 = arith.sitofp %parallel_loop3A_161 : vector<16xi32> to vector<16xf32>
      %parallel_loop3A_177 = arith.constant 1.000000e+00 : f32
      %parallel_loop3A_178 = arith.constant 0.000000e+00 : f32
      %parallel_loop3A_179 = vector.broadcast %parallel_loop3A_177 : f32 to vector<16xf32>
      %parallel_loop3A_180 = vector.broadcast %parallel_loop3A_178 : f32 to vector<16xf32>
      %parallel_loop3A_181 = arith.select %parallel_loop3A_171, %parallel_loop3A_179, %parallel_loop3A_180 : vector<16xi1>, vector<16xf32>
      %parallel_loop3A_182 = arith.addf %parallel_loop3A_176, %parallel_loop3A_181 : vector<16xf32>
      %parallel_loop3A_183 = arith.constant 1.000000e+00 : f32
      %parallel_loop3A_184 = vector.broadcast %parallel_loop3A_183 : f32 to vector<16xf32>
      %parallel_loop3A_185 = arith.subf %parallel_loop3A_175, %parallel_loop3A_184 : vector<16xf32>
      %parallel_loop3A_186 = arith.constant 1.000000e+00 : f32
      %parallel_loop3A_187 = vector.broadcast %parallel_loop3A_186 : f32 to vector<16xf32>
      %parallel_loop3A_188 = arith.addf %parallel_loop3A_175, %parallel_loop3A_187 : vector<16xf32>
      %parallel_loop3A_189 = arith.divf %parallel_loop3A_185, %parallel_loop3A_188 : vector<16xf32>
      %parallel_loop3A_190 = arith.mulf %parallel_loop3A_189, %parallel_loop3A_189 : vector<16xf32>
      %parallel_loop3A_191 = arith.constant 0.222222224 : f32
      %parallel_loop3A_192 = vector.broadcast %parallel_loop3A_191 : f32 to vector<16xf32>
      %parallel_loop3A_193 = arith.mulf %parallel_loop3A_190, %parallel_loop3A_192 : vector<16xf32>
      %parallel_loop3A_194 = arith.constant 0.285714298 : f32
      %parallel_loop3A_195 = vector.broadcast %parallel_loop3A_194 : f32 to vector<16xf32>
      %parallel_loop3A_196 = arith.addf %parallel_loop3A_195, %parallel_loop3A_193 : vector<16xf32>
      %parallel_loop3A_197 = arith.mulf %parallel_loop3A_190, %parallel_loop3A_196 : vector<16xf32>
      %parallel_loop3A_198 = arith.constant 4.000000e-01 : f32
      %parallel_loop3A_199 = vector.broadcast %parallel_loop3A_198 : f32 to vector<16xf32>
      %parallel_loop3A_200 = arith.addf %parallel_loop3A_199, %parallel_loop3A_197 : vector<16xf32>
      %parallel_loop3A_201 = arith.mulf %parallel_loop3A_190, %parallel_loop3A_200 : vector<16xf32>
      %parallel_loop3A_202 = arith.constant 0.666666686 : f32
      %parallel_loop3A_203 = vector.broadcast %parallel_loop3A_202 : f32 to vector<16xf32>
      %parallel_loop3A_204 = arith.addf %parallel_loop3A_203, %parallel_loop3A_201 : vector<16xf32>
      %parallel_loop3A_205 = arith.mulf %parallel_loop3A_190, %parallel_loop3A_204 : vector<16xf32>
      %parallel_loop3A_206 = arith.constant 2.000000e+00 : f32
      %parallel_loop3A_207 = vector.broadcast %parallel_loop3A_206 : f32 to vector<16xf32>
      %parallel_loop3A_208 = arith.addf %parallel_loop3A_207, %parallel_loop3A_205 : vector<16xf32>
      %parallel_loop3A_209 = arith.mulf %parallel_loop3A_189, %parallel_loop3A_208 : vector<16xf32>
      %parallel_loop3A_210 = arith.constant 0.693147182 : f32
      %parallel_loop3A_211 = vector.broadcast %parallel_loop3A_210 : f32 to vector<16xf32>
      %parallel_loop3A_212 = arith.mulf %parallel_loop3A_182, %parallel_loop3A_211 : vector<16xf32>
      %parallel_loop3A_213 = arith.addf %parallel_loop3A_212, %parallel_loop3A_209 : vector<16xf32>
      %parallel_loop3A_214 = arith.mulf %parallel_loop3A_148, %parallel_loop3A_213 : vector<16xf32>
      %parallel_loop3A_215 = arith.constant 200000 : i32
      %parallel_loop3A_216 = vector.broadcast %parallel_loop3A_215 : i32 to vector<16xi32>
      %parallel_loop3A_217 = arith.cmpi slt, %parallel_loop3A_87, %parallel_loop3A_216 : vector<16xi32>
      %parallel_loop3A_218 = arith.andi %parallel_loop3A_138, %parallel_loop3A_217 : vector<16xi1>
      %parallel_loop3A_219 = arith.constant 0.000000e+00 : f32
      %parallel_loop3A_220 = vector.broadcast %parallel_loop3A_219 : f32 to vector<16xf32>
      %parallel_loop3A_221 = arith.select %parallel_loop3A_218, %parallel_loop3A_214, %parallel_loop3A_220 : vector<16xi1>, vector<16xf32>
      %parallel_loop3A_222 = arith.constant 16 : i32
      %parallel_loop3A_223 = vector.broadcast %parallel_loop3A_222 : i32 to vector<16xi32>
      %parallel_loop3A_224 = arith.shrsi %parallel_loop3A_75, %parallel_loop3A_223 : vector<16xi32>
      %parallel_loop3A_225 = arith.constant 65535 : i32
      %parallel_loop3A_226 = vector.broadcast %parallel_loop3A_225 : i32 to vector<16xi32>
      %parallel_loop3A_227 = arith.andi %parallel_loop3A_224, %parallel_loop3A_226 : vector<16xi32>
      %parallel_loop3A_228 = arith.constant 3200 : i32
      %parallel_loop3A_229 = arith.addi %mul3A_64, %parallel_loop3A_228 : i32
      %parallel_loop3A_230 = arith.addi %parallel_loop3A_229, %parallel_loop3A_73 : i32
      %parallel_loop3A_231 = vector.broadcast %parallel_loop3A_230 : i32 to vector<16xi32>
      %parallel_loop3A_232 = arith.addi %parallel_loop3A_231, %iota3A : vector<16xi32>
      %parallel_loop3A_233 = arith.constant 65535 : i32
      %parallel_loop3A_234 = vector.broadcast %parallel_loop3A_233 : i32 to vector<16xi32>
      %parallel_loop3A_235 = arith.andi %parallel_loop3A_81, %parallel_loop3A_234 : vector<16xi32>
      %parallel_loop3A_236 = arith.constant 16 : i32
      %parallel_loop3A_237 = vector.broadcast %parallel_loop3A_236 : i32 to vector<16xi32>
      %parallel_loop3A_238 = arith.shrsi %parallel_loop3A_81, %parallel_loop3A_237 : vector<16xi32>
      %parallel_loop3A_239 = arith.constant 65535 : i32
      %parallel_loop3A_240 = vector.broadcast %parallel_loop3A_239 : i32 to vector<16xi32>
      %parallel_loop3A_241 = arith.andi %parallel_loop3A_238, %parallel_loop3A_240 : vector<16xi32>
      %parallel_loop3A_242 = tpu.vector_load_idx %arg10[%parallel_loop3A_227] : memref<50176xf32, #tpu.memory_space<vmem>>[vector<16xi32>], vector<16xf32>,
      %parallel_loop3A_243 = tpu.vector_load_idx %arg11[%parallel_loop3A_227] : memref<50176xf32, #tpu.memory_space<vmem>>[vector<16xi32>], vector<16xf32>,
      %parallel_loop3A_244 = tpu.vector_load_idx %arg10[%parallel_loop3A_235] : memref<50176xf32, #tpu.memory_space<vmem>>[vector<16xi32>], vector<16xf32>,
      %parallel_loop3A_245 = tpu.vector_load_idx %arg11[%parallel_loop3A_235] : memref<50176xf32, #tpu.memory_space<vmem>>[vector<16xi32>], vector<16xf32>,
      %parallel_loop3A_246 = tpu.vector_load_idx %arg10[%parallel_loop3A_241] : memref<50176xf32, #tpu.memory_space<vmem>>[vector<16xi32>], vector<16xf32>,
      %parallel_loop3A_247 = tpu.vector_load_idx %arg11[%parallel_loop3A_241] : memref<50176xf32, #tpu.memory_space<vmem>>[vector<16xi32>], vector<16xf32>,
      %parallel_loop3A_248 = arith.subf %parallel_loop3A_246, %parallel_loop3A_244 : vector<16xf32>
      %parallel_loop3A_249 = arith.subf %parallel_loop3A_247, %parallel_loop3A_245 : vector<16xf32>
      %parallel_loop3A_250 = arith.mulf %parallel_loop3A_248, %parallel_loop3A_248 : vector<16xf32>
      %parallel_loop3A_251 = arith.mulf %parallel_loop3A_249, %parallel_loop3A_249 : vector<16xf32>
      %parallel_loop3A_252 = arith.addf %parallel_loop3A_250, %parallel_loop3A_251 : vector<16xf32>
      %parallel_loop3A_253 = arith.constant 9.99999996E-13 : f32
      %parallel_loop3A_254 = vector.broadcast %parallel_loop3A_253 : f32 to vector<16xf32>
      %parallel_loop3A_255 = arith.maximumf %parallel_loop3A_252, %parallel_loop3A_254 : vector<16xf32>
      %parallel_loop3A_256 = arith.subf %parallel_loop3A_242, %parallel_loop3A_244 : vector<16xf32>
      %parallel_loop3A_257 = arith.subf %parallel_loop3A_243, %parallel_loop3A_245 : vector<16xf32>
      %parallel_loop3A_258 = arith.mulf %parallel_loop3A_256, %parallel_loop3A_248 : vector<16xf32>
      %parallel_loop3A_259 = arith.mulf %parallel_loop3A_257, %parallel_loop3A_249 : vector<16xf32>
      %parallel_loop3A_260 = arith.addf %parallel_loop3A_258, %parallel_loop3A_259 : vector<16xf32>
      %parallel_loop3A_261 = arith.divf %parallel_loop3A_260, %parallel_loop3A_255 : vector<16xf32>
      %parallel_loop3A_262 = arith.constant 0.000000e+00 : f32
      %parallel_loop3A_263 = vector.broadcast %parallel_loop3A_262 : f32 to vector<16xf32>
      %parallel_loop3A_264 = arith.maximumf %parallel_loop3A_261, %parallel_loop3A_263 : vector<16xf32>
      %parallel_loop3A_265 = arith.constant 1.000000e+00 : f32
      %parallel_loop3A_266 = vector.broadcast %parallel_loop3A_265 : f32 to vector<16xf32>
      %parallel_loop3A_267 = arith.minimumf %parallel_loop3A_264, %parallel_loop3A_266 : vector<16xf32>
      %parallel_loop3A_268 = arith.mulf %parallel_loop3A_267, %parallel_loop3A_248 : vector<16xf32>
      %parallel_loop3A_269 = arith.addf %parallel_loop3A_244, %parallel_loop3A_268 : vector<16xf32>
      %parallel_loop3A_270 = arith.mulf %parallel_loop3A_267, %parallel_loop3A_249 : vector<16xf32>
      %parallel_loop3A_271 = arith.addf %parallel_loop3A_245, %parallel_loop3A_270 : vector<16xf32>
      %parallel_loop3A_272 = arith.subf %parallel_loop3A_242, %parallel_loop3A_269 : vector<16xf32>
      %parallel_loop3A_273 = arith.subf %parallel_loop3A_243, %parallel_loop3A_271 : vector<16xf32>
      %parallel_loop3A_274 = arith.mulf %parallel_loop3A_272, %parallel_loop3A_272 : vector<16xf32>
      %parallel_loop3A_275 = arith.mulf %parallel_loop3A_273, %parallel_loop3A_273 : vector<16xf32>
      %parallel_loop3A_276 = arith.addf %parallel_loop3A_274, %parallel_loop3A_275 : vector<16xf32>
      %parallel_loop3A_277 = arith.constant 2.500000e-03 : f32
      %parallel_loop3A_278 = vector.broadcast %parallel_loop3A_277 : f32 to vector<16xf32>
      %parallel_loop3A_279 = arith.cmpf olt, %parallel_loop3A_276, %parallel_loop3A_278 : vector<16xf32>
      %parallel_loop3A_280 = arith.constant 0.000000e+00 : f32
      %parallel_loop3A_281 = vector.broadcast %parallel_loop3A_280 : f32 to vector<16xf32>
      %parallel_loop3A_282 = arith.cmpf ogt, %parallel_loop3A_276, %parallel_loop3A_281 : vector<16xf32>
      %parallel_loop3A_283 = arith.andi %parallel_loop3A_279, %parallel_loop3A_282 : vector<16xi1>
      %parallel_loop3A_284 = arith.constant 2.500000e-03 : f32
      %parallel_loop3A_285 = vector.broadcast %parallel_loop3A_284 : f32 to vector<16xf32>
      %parallel_loop3A_286 = arith.select %parallel_loop3A_283, %parallel_loop3A_276, %parallel_loop3A_285 : vector<16xi1>, vector<16xf32>
      %parallel_loop3A_287 = arith.constant 2.500000e-03 : f32
      %parallel_loop3A_288 = vector.broadcast %parallel_loop3A_287 : f32 to vector<16xf32>
      %parallel_loop3A_289 = arith.subf %parallel_loop3A_286, %parallel_loop3A_288 : vector<16xf32>
      %parallel_loop3A_290 = arith.mulf %parallel_loop3A_289, %parallel_loop3A_289 : vector<16xf32>
      %parallel_loop3A_291 = arith.constant 0.000000e+00 : f32
      %parallel_loop3A_292 = vector.broadcast %parallel_loop3A_291 : f32 to vector<16xf32>
      %parallel_loop3A_293 = arith.subf %parallel_loop3A_292, %parallel_loop3A_290 : vector<16xf32>
      %parallel_loop3A_294 = arith.constant 4.000000e+02 : f32
      %parallel_loop3A_295 = vector.broadcast %parallel_loop3A_294 : f32 to vector<16xf32>
      %parallel_loop3A_296 = arith.mulf %parallel_loop3A_286, %parallel_loop3A_295 : vector<16xf32>
      %parallel_loop3A_297 = vector.bitcast %parallel_loop3A_296 : vector<16xf32> to vector<16xi32>
      %parallel_loop3A_298 = arith.constant 23 : i32
      %parallel_loop3A_299 = vector.broadcast %parallel_loop3A_298 : i32 to vector<16xi32>
      %parallel_loop3A_300 = arith.shrsi %parallel_loop3A_297, %parallel_loop3A_299 : vector<16xi32>
      %parallel_loop3A_301 = arith.constant 255 : i32
      %parallel_loop3A_302 = vector.broadcast %parallel_loop3A_301 : i32 to vector<16xi32>
      %parallel_loop3A_303 = arith.andi %parallel_loop3A_300, %parallel_loop3A_302 : vector<16xi32>
      %parallel_loop3A_304 = arith.constant 127 : i32
      %parallel_loop3A_305 = vector.broadcast %parallel_loop3A_304 : i32 to vector<16xi32>
      %parallel_loop3A_306 = arith.subi %parallel_loop3A_303, %parallel_loop3A_305 : vector<16xi32>
      %parallel_loop3A_307 = arith.constant 8388607 : i32
      %parallel_loop3A_308 = vector.broadcast %parallel_loop3A_307 : i32 to vector<16xi32>
      %parallel_loop3A_309 = arith.andi %parallel_loop3A_297, %parallel_loop3A_308 : vector<16xi32>
      %parallel_loop3A_310 = arith.constant 1065353216 : i32
      %parallel_loop3A_311 = vector.broadcast %parallel_loop3A_310 : i32 to vector<16xi32>
      %parallel_loop3A_312 = arith.ori %parallel_loop3A_309, %parallel_loop3A_311 : vector<16xi32>
      %parallel_loop3A_313 = vector.bitcast %parallel_loop3A_312 : vector<16xi32> to vector<16xf32>
      %parallel_loop3A_314 = arith.constant 1.41421354 : f32
      %parallel_loop3A_315 = vector.broadcast %parallel_loop3A_314 : f32 to vector<16xf32>
      %parallel_loop3A_316 = arith.cmpf ogt, %parallel_loop3A_313, %parallel_loop3A_315 : vector<16xf32>
      %parallel_loop3A_317 = arith.constant 5.000000e-01 : f32
      %parallel_loop3A_318 = vector.broadcast %parallel_loop3A_317 : f32 to vector<16xf32>
      %parallel_loop3A_319 = arith.mulf %parallel_loop3A_313, %parallel_loop3A_318 : vector<16xf32>
      %parallel_loop3A_320 = arith.select %parallel_loop3A_316, %parallel_loop3A_319, %parallel_loop3A_313 : vector<16xi1>, vector<16xf32>
      %parallel_loop3A_321 = arith.sitofp %parallel_loop3A_306 : vector<16xi32> to vector<16xf32>
      %parallel_loop3A_322 = arith.constant 1.000000e+00 : f32
      %parallel_loop3A_323 = arith.constant 0.000000e+00 : f32
      %parallel_loop3A_324 = vector.broadcast %parallel_loop3A_322 : f32 to vector<16xf32>
      %parallel_loop3A_325 = vector.broadcast %parallel_loop3A_323 : f32 to vector<16xf32>
      %parallel_loop3A_326 = arith.select %parallel_loop3A_316, %parallel_loop3A_324, %parallel_loop3A_325 : vector<16xi1>, vector<16xf32>
      %parallel_loop3A_327 = arith.addf %parallel_loop3A_321, %parallel_loop3A_326 : vector<16xf32>
      %parallel_loop3A_328 = arith.constant 1.000000e+00 : f32
      %parallel_loop3A_329 = vector.broadcast %parallel_loop3A_328 : f32 to vector<16xf32>
      %parallel_loop3A_330 = arith.subf %parallel_loop3A_320, %parallel_loop3A_329 : vector<16xf32>
      %parallel_loop3A_331 = arith.constant 1.000000e+00 : f32
      %parallel_loop3A_332 = vector.broadcast %parallel_loop3A_331 : f32 to vector<16xf32>
      %parallel_loop3A_333 = arith.addf %parallel_loop3A_320, %parallel_loop3A_332 : vector<16xf32>
      %parallel_loop3A_334 = arith.divf %parallel_loop3A_330, %parallel_loop3A_333 : vector<16xf32>
      %parallel_loop3A_335 = arith.mulf %parallel_loop3A_334, %parallel_loop3A_334 : vector<16xf32>
      %parallel_loop3A_336 = arith.constant 0.222222224 : f32
      %parallel_loop3A_337 = vector.broadcast %parallel_loop3A_336 : f32 to vector<16xf32>
      %parallel_loop3A_338 = arith.mulf %parallel_loop3A_335, %parallel_loop3A_337 : vector<16xf32>
      %parallel_loop3A_339 = arith.constant 0.285714298 : f32
      %parallel_loop3A_340 = vector.broadcast %parallel_loop3A_339 : f32 to vector<16xf32>
      %parallel_loop3A_341 = arith.addf %parallel_loop3A_340, %parallel_loop3A_338 : vector<16xf32>
      %parallel_loop3A_342 = arith.mulf %parallel_loop3A_335, %parallel_loop3A_341 : vector<16xf32>
      %parallel_loop3A_343 = arith.constant 4.000000e-01 : f32
      %parallel_loop3A_344 = vector.broadcast %parallel_loop3A_343 : f32 to vector<16xf32>
      %parallel_loop3A_345 = arith.addf %parallel_loop3A_344, %parallel_loop3A_342 : vector<16xf32>
      %parallel_loop3A_346 = arith.mulf %parallel_loop3A_335, %parallel_loop3A_345 : vector<16xf32>
      %parallel_loop3A_347 = arith.constant 0.666666686 : f32
      %parallel_loop3A_348 = vector.broadcast %parallel_loop3A_347 : f32 to vector<16xf32>
      %parallel_loop3A_349 = arith.addf %parallel_loop3A_348, %parallel_loop3A_346 : vector<16xf32>
      %parallel_loop3A_350 = arith.mulf %parallel_loop3A_335, %parallel_loop3A_349 : vector<16xf32>
      %parallel_loop3A_351 = arith.constant 2.000000e+00 : f32
      %parallel_loop3A_352 = vector.broadcast %parallel_loop3A_351 : f32 to vector<16xf32>
      %parallel_loop3A_353 = arith.addf %parallel_loop3A_352, %parallel_loop3A_350 : vector<16xf32>
      %parallel_loop3A_354 = arith.mulf %parallel_loop3A_334, %parallel_loop3A_353 : vector<16xf32>
      %parallel_loop3A_355 = arith.constant 0.693147182 : f32
      %parallel_loop3A_356 = vector.broadcast %parallel_loop3A_355 : f32 to vector<16xf32>
      %parallel_loop3A_357 = arith.mulf %parallel_loop3A_327, %parallel_loop3A_356 : vector<16xf32>
      %parallel_loop3A_358 = arith.addf %parallel_loop3A_357, %parallel_loop3A_354 : vector<16xf32>
      %parallel_loop3A_359 = arith.mulf %parallel_loop3A_293, %parallel_loop3A_358 : vector<16xf32>
      %parallel_loop3A_360 = arith.constant 200000 : i32
      %parallel_loop3A_361 = vector.broadcast %parallel_loop3A_360 : i32 to vector<16xi32>
      %parallel_loop3A_362 = arith.cmpi slt, %parallel_loop3A_232, %parallel_loop3A_361 : vector<16xi32>
      %parallel_loop3A_363 = arith.andi %parallel_loop3A_283, %parallel_loop3A_362 : vector<16xi1>
      %parallel_loop3A_364 = arith.constant 0.000000e+00 : f32
      %parallel_loop3A_365 = vector.broadcast %parallel_loop3A_364 : f32 to vector<16xf32>
      %parallel_loop3A_366 = arith.select %parallel_loop3A_363, %parallel_loop3A_359, %parallel_loop3A_365 : vector<16xi1>, vector<16xf32>
      %parallel_loop3A_367 = arith.addf %parallel_loop3A_71, %parallel_loop3A_221 : vector<16xf32>
      %parallel_loop3A_368 = arith.addf %parallel_loop3A_367, %parallel_loop3A_366 : vector<16xf32>
      scf.yield %parallel_loop3A_368 : vector<16xf32>
    } {sc.loop_unroll_factor = 2 : i64, sc.parallel_access}
    %swap3A = arith.constant 0 : index
    %swap3A_69 = tpu.vector_load %arg17[%swap3A] {strides = array<i32>} : memref<16xf32, #tpu.memory_space<vmem>>, vector<16xf32>,
    tpu.vector_store %arg17[%swap3A], %parallel_loop3A_68 {strides = array<i32>} : memref<16xf32, #tpu.memory_space<vmem>>, vector<16xf32>,
    "tpu.trace_stop"() : () -> ()
    "tpu.region"() ({
      %run_scoped3A = tpu.sem_alloc : memref<!tpu.dma_semaphore, #tpu.memory_space<semaphore_mem>>
      %dma_start3A_70 = arith.constant 0 : i32
      %dma_start3A_71 = tpu.memref_slice %arg9[%add3A, %dma_start3A_70] : memref<32x16xf32, #tpu.memory_space<hbm>> -> memref<1x16xf32, #tpu.memory_space<hbm>>
      %dma_start3A_72 = tpu.memref_squeeze %dma_start3A_71 : memref<1x16xf32, #tpu.memory_space<hbm>> -> memref<16xf32, #tpu.memory_space<hbm>>
      %dma_start3A_73 = arith.constant 0 : i32
      %dma_start3A_74 = tpu.memref_slice %arg9[%add3A, %dma_start3A_73] : memref<32x16xf32, #tpu.memory_space<hbm>> -> memref<1x16xf32, #tpu.memory_space<hbm>>
      %dma_start3A_75 = tpu.memref_squeeze %dma_start3A_74 : memref<1x16xf32, #tpu.memory_space<hbm>> -> memref<16xf32, #tpu.memory_space<hbm>>
      tpu.enqueue_dma source(%arg17 : memref<16xf32, #tpu.memory_space<vmem>>) target(%dma_start3A_75 : memref<16xf32, #tpu.memory_space<hbm>>) target_semaphore(%run_scoped3A : memref<!tpu.dma_semaphore, #tpu.memory_space<semaphore_mem>>)
      %dma_wait3A_76 = arith.constant 0 : i32
      %dma_wait3A_77 = tpu.memref_slice %arg9[%add3A, %dma_wait3A_76] : memref<32x16xf32, #tpu.memory_space<hbm>> -> memref<1x16xf32, #tpu.memory_space<hbm>>
      %dma_wait3A_78 = tpu.memref_squeeze %dma_wait3A_77 : memref<1x16xf32, #tpu.memory_space<hbm>> -> memref<16xf32, #tpu.memory_space<hbm>>
      %dma_wait3A_79 = arith.constant 0 : i32
      %dma_wait3A_80 = tpu.memref_slice %arg9[%add3A, %dma_wait3A_79] : memref<32x16xf32, #tpu.memory_space<hbm>> -> memref<1x16xf32, #tpu.memory_space<hbm>>
      %dma_wait3A_81 = tpu.memref_squeeze %dma_wait3A_80 : memref<1x16xf32, #tpu.memory_space<hbm>> -> memref<16xf32, #tpu.memory_space<hbm>>
      tpu.wait_dma2 semaphore(%run_scoped3A : memref<!tpu.dma_semaphore, #tpu.memory_space<semaphore_mem>>) src(%arg17 : memref<16xf32, #tpu.memory_space<vmem>>) dst(%dma_wait3A_81 : memref<16xf32, #tpu.memory_space<hbm>>)
      tpu.yield
    }) : () -> ()
    return
  }
}

</mosaic_0001>

<sc_bundles>
// kernel: kernel.3.cloned.1.call-start
scs
__scs_entry_jumppad:
0x0: {  	(pc) =	sbr.rel $0x88, $3  }
0x1: {  	(tag) =	ssettag $0x0;
	lr =	simm.s32 $0x1  }
0x2: {  	[smem:$0x3F9C] =	sst lr;
	_ =	strace $0xD0000000  }
0x3: {  	_ = 	snop  }
0x4: {  	_ = 	snop  }
0x5: {  	_ = 	snop  }
0x6: {  	_ = 	snop  }
0x7: {  	_ = 	snop  }
__scs_overlays_trampoline_lowered:
0x8: {  	[smem:$0x3FAB] =	sst s0  }
0x9: {  	[smem:$0x3FAC] =	sst s1  }
0xa: {  	[smem:$0x3FAD] =	sst s2  }
0xb: {  	[smem:$0x3FAE] =	sst s3  }
0xc: {  	[smem:$0x3FAF] =	sst s4  }
0xd: {  	[smem:$0x3FB0] =	sst s5  }
0xe: {  	[smem:$0x3FB1] =	sst s6  }
0xf: {  	[smem:$0x3FB2] =	sst s7  }
0x10: {  	[smem:$0x3FB3] =	sst s8  }
0x11: {  	[smem:$0x3FB4] =	sst s9;
	s0 =	simm.s32 @!p0 $0x0  }
0x12: {  	s1 =	sld [smem:$0x3F9A];
	s0 =	simm.s32 @p0 $0x1  }
0x13: {  	[smem:$0x3FB5] =	sst s0;
	s0 =	simm.s32 @!p1 $0x0  }
0x14: {  	s2 =	sld [smem:$0x3F99];
	s0 =	simm.s32 @p1 $0x1  }
0x15: {  	[smem:$0x3FB6] =	sst s0;
	s0 =	simm.s32 @!p2 $0x0  }
0x16: {  	s3 =	sld [smem:$0x3FDB];
	s0 =	simm.s32 @p2 $0x1  }
0x17: {  	s4 =	simm.s32 $0x1BF5;
	[smem:$0x3FB8] =	sst s0  }
0x18: {  	s0 =	sld [smem:$0x3F9B];
	_ =	swait.ge [sflag:s4], $0x0  }
0x19: {  	s7 =	sld [smem:$0x3F9C]  }
0x1a: {  	s8 =	sadd.s32 $0xFFFFE003, lr  }
0x1b: {  	s9 =	sadd.s32 $0xFFFFFEF7, lr;
	s5 =	simm.s32 $0xFFFFFFFF;
	p2 =	slt.u32 s8, $0xFFFFF086  }
0x1c: {  	p1 =	slt.u32 s9, $0xF7A;
	s5 =	simm.s32 @!p2 $0x0  }
0x1d: {  	s5 =	simm.s32 @p1 $0x1;
	p0 =	seq.s32 s7, s2  }
0x1e: {  	s7 =	smul.u32 @!p0 $0xF7A, s2;
	p2 =	seq.s32 @!p0 s5, $0x0  }
0x1f: {  	s9 =	smul.u32 $0xF7A, s1;
	s8 =	simm.s32 @!p0 $0x1BF5;
	p2 =	por !p2, p0  }
0x20: {  	[sflag:s8] =	ssyncset.s32 @!p0 $0xFFFFF086;
	s6 =	sadd.s32 @!p0 s3, s7;
	s7 =	simm.s32 @!p0 $0x108  }
0x21: {  	s3 =	sadd.s32 s3, s9;
	s6 =	sadd.s32 @!p0 $0x88, s6;
	s7 =	simm.s32 @p2 $0x1082  }
0x22: {  	[simem:s7], [sflag:s8] =	dma.local @!p0 [hbm:s6], $0xF7A  }
0x23: {  	s9 =	sor.u32 $0xD0000000, s2;
	s6 =	simm.s32 $0x108;
	_ =	swait.ge @!p0 [sflag:s8], $0x0  }
0x24: {  	s3 =	sadd.s32 $0x88, s3;
	s6 =	simm.s32 @!p1 $0x1082;
	[sflag:s4] =	ssyncset.s32 $0xFFFFF086  }
0x25: {  	[simem:s6], [sflag:s4] =	dma.local [hbm:s3], $0xF7A  }
0x26: {  	[smem:$0x3F9C] =	sst s1;
	(tag) =	ssettag s2;
	_ =	strace s9  }
0x27: {  	s1 =	sld [smem:$0x3FAC]  }
0x28: {  	s2 =	sld [smem:$0x3FAD]  }
0x29: {  	s4 =	sld [smem:$0x3FAF]  }
0x2a: {  	p0 =	seq.s32 s5, $0x0;
	s5 =	sld [smem:$0x3FB0]  }
0x2b: {  	s6 =	sld [smem:$0x3FB1]  }
0x2c: {  	s7 =	sld [smem:$0x3FB2]  }
0x2d: {  	s3 =	simm.s32 $0x108;
	s8 =	sld [smem:$0x3FB3]  }
0x2e: {  	s3 =	simm.s32 @!p0 $0x1082;
	s9 =	sld [smem:$0x3FB4]  }
0x2f: {  	lr =	sadd.s32 s0, s3;
	s0 =	sld [smem:$0x3FAB]  }
0x30: {  	s3 =	sld [smem:$0x3FAE]  }
0x31: {  	[smem:$0x3FB7] =	sst s10  }
0x32: {  	s10 =	sld [smem:$0x3FB5];
	_ =	sdelay $0x3  }
0x33: {  	p0 =	seq.s32 s10, $0x1;
	s10 =	sld [smem:$0x3FB7];
	_ =	sdelay $0x3  }
0x34: {  	[smem:$0x3FB7] =	sst s10  }
0x35: {  	s10 =	sld [smem:$0x3FB6];
	_ =	sdelay $0x3  }
0x36: {  	p1 =	seq.s32 s10, $0x1;
	s10 =	sld [smem:$0x3FB7];
	_ =	sdelay $0x3  }
0x37: {  	[smem:$0x3FB7] =	sst s10  }
0x38: {  	s10 =	sld [smem:$0x3FB8]  }
0x39: {  	_ = 	snop;
	(pc) =	sbr.ind lr, $3  }
0x3a: {  	_ = 	snop  }
0x3b: {  	_ = 	snop  }
0x3c: {  	p2 =	seq.s32 s10, $0x1;
	s10 =	sld [smem:$0x3FB7]  }
0x3d: {  	_ =	shalt  }
0x3e: {  	_ =	shalt  }
0x3f: {  	_ =	shalt  }
0x40: {  	_ =	shalt  }
0x41: {  	_ =	shalt  }
0x42: {  	_ =	shalt  }
0x43: {  	_ =	shalt  }
0x44: {  	_ =	shalt  }
0x45: {  	_ =	shalt  }
0x46: {  	_ =	shalt  }
0x47: {  	_ =	shalt  }
0x48: {  	_ =	shalt  }
0x49: {  	_ =	shalt  }
0x4a: {  	_ =	shalt  }
0x4b: {  	_ =	shalt  }
0x4c: {  	_ =	shalt  }
0x4d: {  	_ =	shalt  }
0x4e: {  	_ =	shalt  }
0x4f: {  	_ =	shalt  }
0x50: {  	_ =	shalt  }
0x51: {  	_ =	shalt  }
0x52: {  	_ =	shalt  }
0x53: {  	_ =	shalt  }
0x54: {  	_ =	shalt  }
0x55: {  	_ =	shalt  }
0x56: {  	_ =	shalt  }
0x57: {  	_ =	shalt  }
0x58: {  	_ =	shalt  }
0x59: {  	_ =	shalt  }
0x5a: {  	_ =	shalt  }
0x5b: {  	_ =	shalt  }
0x5c: {  	_ =	shalt  }
0x5d: {  	_ =	shalt  }
0x5e: {  	_ =	shalt  }
0x5f: {  	_ =	shalt  }
0x60: {  	_ =	shalt  }
0x61: {  	_ =	shalt  }
0x62: {  	_ =	shalt  }
0x63: {  	_ =	shalt  }
0x64: {  	_ =	shalt  }
0x65: {  	_ =	shalt  }
0x66: {  	_ =	shalt  }
0x67: {  	_ =	shalt  }
0x68: {  	_ =	shalt  }
0x69: {  	_ =	shalt  }
0x6a: {  	_ =	shalt  }
0x6b: {  	_ =	shalt  }
0x6c: {  	_ =	shalt  }
0x6d: {  	_ =	shalt  }
0x6e: {  	_ =	shalt  }
0x6f: {  	_ =	shalt  }
0x70: {  	_ =	shalt  }
0x71: {  	_ =	shalt  }
0x72: {  	_ =	shalt  }
0x73: {  	_ =	shalt  }
0x74: {  	_ =	shalt  }
0x75: {  	_ =	shalt  }
0x76: {  	_ =	shalt  }
0x77: {  	_ =	shalt  }
0x78: {  	_ =	shalt  }
0x79: {  	_ =	shalt  }
0x7a: {  	_ =	shalt  }
0x7b: {  	_ =	shalt  }
0x7c: {  	_ =	shalt  }
0x7d: {  	_ =	shalt  }
0x7e: {  	_ =	shalt  }
0x7f: {  	_ =	shalt  }
0x80: {  	_ =	shalt  }
0x81: {  	_ =	shalt  }
0x82: {  	_ =	shalt  }
0x83: {  	_ =	shalt  }
0x84: {  	_ =	shalt  }
0x85: {  	_ =	shalt  }
0x86: {  	_ =	shalt  }
0x87: {  	_ =	shalt  }
.Lfunc_end0:
.L_simem_size_0:
called_computation_lowered:
.L_overlay_start_0:
0x88: {  	s2 =	sld [smem:$0x3FD9]  }
0x89: {  	s3 =	sld [smem:$0x3FFE];
	_ =	sdelay $0x1  }
0x8a: {  	s1 =	srdreg.scid  }
0x8b: {  	s0 =	sand.u32 $0x1, s1  }
0x8c: {  	s16 =	sshll.u32 s0, $0xA;
	s2 =	sadd.s32 s3, s2  }
0x8d: {  	s2 =	sadd.s32 s2, s16  }
0x8e: {  	[smem:$0x3FC3] =	sst s2  }
0x8f: {  	_ = 	snop  }
0x90: {  	(tm) =	ssettm $0x1  }
0x91: {  	s17 =	sld [smem:$0x3FFB];
	_ =	sdelay $0x3  }
0x92: {  	_ =	strace s17  }
0x93: {  	s2 =	sld [smem:$0x3FFC];
	_ =	sdelay $0x3  }
0x94: {  	_ =	strace s2  }
0x95: {  	s2 =	sld [smem:$0x3FFD];
	_ =	sdelay $0x3  }
0x96: {  	_ =	strace s2  }
0x97: {  	_ =	strace $0x8FFFFFFF  }
0x98: {  	s18 =	sld [smem:$0x3FDB];
	_ =	sdelay $0x1  }
0x99: {  	s19 =	simm.s32 $_scs_section_size  }
0x9a: {  	s4 =	simm.s32 $_size__tile_overlayer_lowered;
	s5 =	simm.s32 $_tile_overlayer_lowered  }
0x9b: {  	s22 =	simm.s32 $0x1BFF;
	s21 =	sshll.u32 s5, $0x1;
	s2 =	sadd.s32 s19, s18  }
0x9c: {  	s6 =	simm.s32 $0x0;
	s20 =	sshll.u32 s4, $0x1;
	s4 =	sadd.s32 s21, s2  }
0x9d: {  	[timem:s6], [sflag:s22] =	dma.local [hbm:s4], s20  }
0x9e: {  	_ =	swait.ge [sflag:s22], s20  }
0x9f: {  	s3 =	ssub.s32 $0x0, s20;
	[sflag:s22] =	ssyncset.done $0x0  }
0xa0: {  	[sflag:s22] =	ssyncadd.s32 s3;
	_ =	sdelay $0x1  }
0xa1: {  	s23 =	simm.s32 $0x1B8B  }
0xa2: {  	_ =	swait.ge [sflag:s23], $0x1  }
0xa3: {  	[sflag:s23] =	ssyncset.done $0x0  }
0xa4: {  	s25 =	simm.s32 $0x1B8E;
	s24 =	sld [smem:$0x3FFE];
	[sflag:s23] =	ssyncadd.s32 $0xFFFFFFFF  }
0xa5: {  	s26 =	simm.s32 $execute0_lowered;
	[smem:$0x3FD2] =	sst s25  }
0xa6: {  	s4 =	sshll.u32 s26, $0x1;
	_ =	strace $0x80000046;
	[dreg:$0x1] =	wrdreg $0xFFFFFFFF  }
0xa7: {  	s28 =	simm.s32 $_size_execute0_lowered;
	s2 =	sadd.s32 s2, s4;
	[dreg:$0x0] =	wrdreg $0x0  }
0xa8: {  	s4 =	sshll.u32 s28, $0x1;
	[dreg:$0x2] =	wrdreg s2  }
0xa9: {  	[dreg:$0x3] =	wrdreg s4  }
0xaa: {  	[dreg:$0x4] =	wrdreg $0xC0  }
0xab: {  	_ =	task [dreg:s6], $0x5FFFF  }
0xac: {  	[dreg:$0x1] =	wrdreg $0xFFFFFFFF  }
0xad: {  	[dreg:$0x0] =	wrdreg $0x60  }
0xae: {  	[dreg:$0x2] =	wrdreg s24  }
0xaf: {  	[dreg:$0x3] =	wrdreg $0x1DF100  }
0xb0: {  	[dreg:$0x4] =	wrdreg $0x1EB500  }
0xb1: {  	[dreg:$0x5] =	wrdreg $0x9  }
0xb2: {  	_ =	task.clear_ibuf [dreg:s6], $0x6FFFF;
	_ =	strace $0x90000046  }
0xb3: {  	s29 =	simm.s32 $0x9;
	_ =	strace $0x8000004F  }
0xb4: {  	_ =	swait.ge [sflag:s29], $0x1  }
0xb5: {  	[sflag:s29] =	ssyncadd.s32 $0xFFFFFFFF  }
0xb6: {  	_ =	strace $0x9000004F  }
0xb7: {  	_ =	sfence  }
0xb8: {  	s30 =	sld [smem:$0x0];
	_ =	sdelay $0x2  }
0xb9: {  	s31 =	sshll.u32 s1, $0xD;
	s1 =	sshrl.u32 s1, $0x2  }
0xba: {  	s3 =	sand.u32 $0x4000, s31;
	s1 =	sadd.s32 s1, s30  }
0xbb: {  	s0 =	sor.u32 s3, s0;
	s1 =	sshll.u32 s1, $0x11  }
0xbc: {  	s0 =	sor.u32 s1, s0  }
0xbd: {  	s0 =	sadd.s32 $0x8F2B, s0  }
0xbe: {  	[sflag:s0] =	ssyncadd.remote.s32 $0x1  }
0xbf: {  	_ =	sfence.sel $0xFFFF  }
0xc0: {  	[dreg:$0x0] =	wrdreg $0xFFFFFFFF;
	(pc) =	sbr.abs _section_cstart, $3  }
0xc1: {  	[dreg:$0x1] =	wrdreg $0xFFFFFFFF  }
0xc2: {  	_ =	task.clear_ibuf [dreg:s6], $0x2FFFF;
	_ =	strace $0x9FFFFFFF  }
0xc3: {  	(tm) =	ssettm $0x7FFFFFFF  }
tec
execute0_lowered:
.L_overlay_start_1:
0x0: {  	(tag) =	ssettag $0x1  }
0x1: {  	s0 =	rddreg [dreg:$0x0]  }
0x2: {  	s14 =	rddreg [dreg:$0x1]  }
0x3: {  	s15 =	rddreg [dreg:$0x2];
	s3 =	stileid.u32  }
0x4: {  	s1 =	srdreg.scid;
	s4 =	simm.s32 $0x0;
	s22 =	simm.s32 $0x19440  }
0x5: {  	s23 =	simm.s32 $0x2;
	s29 =	simm.s32 $0x1DF00;
	s5 =	smul.u32 $0xC40, s3  }
0x6: {  	s30 =	simm.s32 $0x0;
	s1 =	sand.u32 $0x1, s1;
	s25 =	smul.u32 $0x3100, s3  }
0x7: {  	s2 =	sshll.u32 s3, $0x1;
	[smem:$0x7FF] =	sst s4;
	s26 =	smul.u32 $0x3200, s3  }
0x8: {  	s20 =	smov.u32 s14;
	s21 =	smov.u32 s15;
	s2 =	sor.u32 s1, s2  }
0x9: {  	_ =	strace $0x80000047;
	s9 =	ssub.s32 $0x2, s1;
	s1 =	smul.u32 $0x1900, s1  }
0xa: {  	s7 =	smul.u32 $0x1900, s2;
	s6 =	sshrl.u32 s5, $0x3;
	s8 =	sshll.u32 s2, $0x1  }
0xb: {  	s2 =	smul.u32 $0x190, s2;
	s24 =	sshrl.u32 s9, $0x1;
	s14 =	sadd.s32 s5, s14  }
0xc: {  	s15 =	sadd.s32 s5, s15;
	s18 =	sshrl.u32 s25, $0x2;
	s25 =	simm.s32 $0x3  }
0xd: {  	s13 =	sadd.s32 s6, s0;
	s6 =	sadd.s32 $0xFE00, s0;
	s16 =	sadd.s32 s8, s0  }
0xe: {  	s17 =	ssub.s32 s9, s24;
	s28 =	sadd.s32 $0xC400, s18;
	s31 =	sadd.s32 s1, s26  }
0xf: {  	s24 =	simm.s32 $0x80;
	s26 =	simm.s32 $0xC400;
	s7 =	sshrl.u32 s7, $0x3  }
0x10: {  	s9 =	sadd.s32 $0x8000, s13;
	s11 =	sadd.s32 $0x6600, s13;
	s12 =	sadd.s32 $0x4C00, s13;
	v1 =	vmov s28  }
0x11: {  	v0 =	vmov s18;
	s13 =	sadd.s32 $0x3200, s13;
	s16 =	sadd.s32 $0x13000, s16;
	s17 =	smax.u32 s17, $0x1  }
0x12: {  	s28 =	simm.s32 $0x1;
	s10 =	sadd.s32 s7, s0;
	s7 =	sadd.s32 s0, s2  }
0x13: {  	v2 =	vimm.f32 $0.0e+00;
	vm0 =	vmxor vm0, vm0;
	s0 =	sadd.s32 $0xC80, s31;
	s8 =	sadd.s32 $0x9A00, s10;
	s10 =	sadd.s32 $0xC400, s5  }
.LBB2_1:
0x14: {  	_ =	strace $0x80000048;
	s1 =	simm.s32 $0x1A080  }
0x15: {  	[tilespmem:s1], [sflag:$0x2] =	stream.linear.gather [hbm4b:s7+s4], $0xC80, $0x200038;
	[tilespmem:$0x1F790] =	vst v63  }
0x16: {  	s19 =	simm.s32 $0x1AD00  }
0x17: {  	[tilespmem:s19], [sflag:$0x2] =	stream.linear.gather [hbm4b:s8+s4], $0x1900, $0x200038;
	[tilespmem:$0x1F790] =	vst v63  }
0x18: {  	_ = 	snop  }
0x19: {  	[tilespmem:s5], [sflag:$0x2] =	stream.linear.gather [hbm4b:s9+s4], $0xC40, $0x200038;
	[tilespmem:$0x1F790] =	vst v63  }
0x1a: {  	_ = 	snop  }
0x1b: {  	[tilespmem:s10], [sflag:$0x2] =	stream.linear.gather [hbm4b:s11+s4], $0xC40, $0x200038;
	[tilespmem:$0x1F790] =	vst v63  }
0x1c: {  	s31 =	simm.s32 $0x18800  }
0x1d: {  	[tilespmem:s31], [sflag:$0x2] =	stream.linear.gather [hbm4b:s12+s4], $0xC40, $0x200038;
	[tilespmem:$0x1F790] =	vst v63  }
0x1e: {  	_ = 	snop  }
0x1f: {  	[tilespmem:s22], [sflag:$0x2] =	stream.linear.gather [hbm4b:s13+s4], $0xC40, $0x200038;
	[tilespmem:$0x1F790] =	vst v63  }
0x20: {  	_ =	swait.ge [sflag:s23], $0xC80  }
0x21: {  	[sflag:s23] =	ssyncset.done $0x0  }
0x22: {  	[sflag:s23] =	ssyncadd.s32 $0xFFFFF380  }
0x23: {  	_ =	swait.ge [sflag:s23], $0x1900  }
0x24: {  	[sflag:s23] =	ssyncset.done $0x0  }
0x25: {  	[sflag:s23] =	ssyncadd.s32 $0xFFFFE700  }
0x26: {  	_ =	swait.ge [sflag:s23], $0xC40  }
0x27: {  	[sflag:s23] =	ssyncset.done $0x0  }
0x28: {  	[sflag:s23] =	ssyncadd.s32 $0xFFFFF3C0  }
0x29: {  	_ =	swait.ge [sflag:s23], $0xC40  }
0x2a: {  	[sflag:s23] =	ssyncset.done $0x0  }
0x2b: {  	[sflag:s23] =	ssyncadd.s32 $0xFFFFF3C0  }
0x2c: {  	_ =	swait.ge [sflag:s23], $0xC40  }
0x2d: {  	[sflag:s23] =	ssyncset.done $0x0  }
0x2e: {  	[sflag:s23] =	ssyncadd.s32 $0xFFFFF3C0  }
0x2f: {  	_ =	swait.ge [sflag:s23], $0xC40  }
0x30: {  	[sflag:s23] =	ssyncset.done $0x0  }
0x31: {  	[sflag:s23] =	ssyncadd.s32 $0xFFFFF3C0  }
0x32: {  	s2 =	simm.s32 $0x1C600;
	_ =	strace $0x90000048  }
0x33: {  	s18 =	simm.s32 $0x1AD00;
	s1 =	simm.s32 $0x200;
	_ =	strace $0x80000049  }
.LBB2_2:
0x34: {  	[tilespmem:s2], [sflag:$0x1] =	stream.indirect.gather [hbm4b:s6+s24], $0x1, s18, s24, $0x2000b8;
	[tilespmem:$0x1F790] =	vst v63  }
0x35: {  	s2 =	smov.u32 s1;
	p0 =	sne.s32 s1, $0x6200  }
.Ltmp0:
0x36: {  	s1 =	sadd.s32 $0x200, s1;
	(pc) =	sbr.rel @p0 .LBB2_2-.Ltmp0, $3  }
0x37: {  	_ =	sdelay $0x1  }
0x38: {  	s18 =	sshra.s32 s2, $0x2  }
0x39: {  	s2 =	sadd.s32 $0x1C600, s18;
	s18 =	sadd.s32 $0x1AD00, s18  }
0x3a: {  	_ = 	snop  }
0x3b: {  	[tilespmem:s2], [sflag:$0x1] =	stream.indirect.gather [hbm4b:s6+s24], $0x1, s18, s24, $0x2000b8;
	[tilespmem:$0x1F790] =	vst v63  }
0x3c: {  	_ =	strace $0x90000049  }
0x3d: {  	s1 =	simm.s32 $0x0;
	_ =	strace $0x8000004A  }
0x3e: {  	v3 =	vld.idx.msk [tilespmem:v0+s1+$0x0 ss:$0x1], $0xffff  }
0x3f: {  	v4 =	vld [tilespmem:s1+$0x18800];
	_ =	sdelay $0x4  }
0x40: {  	v3 =	vadd.f32 v4, v3;
	_ =	sdelay $0x1  }
0x41: {  	[tilespmem:v0+s1+$0x0 ss:$0x1] =	vst.idx.msk $0xffff, v3  }
0x42: {  	v3 =	vld.idx.msk [tilespmem:v1+s1+$0x0 ss:$0x1], $0xffff  }
0x43: {  	v4 =	vld [tilespmem:s1+$0x19440];
	_ =	sdelay $0x4  }
0x44: {  	s2 =	simm.s32 $0x40;
	s18 =	simm.s32 $0x80;
	v3 =	vadd.f32 v4, v3  }
.LBB2_4:
0x45: {  	p0 =	sne.s32 s18, $0x30C0  }
0x46: {  	[tilespmem:v1+s1+$0x0 ss:$0x1] =	vst.idx.msk $0xffff, v3;
	s1 =	sshra.s32 s2, $0x2;
	s2 =	smov.u32 s18;
	s18 =	sadd.s32 $0x40, s18  }
0x47: {  	v3 =	vld.idx.msk [tilespmem:v0+s1+$0x0 ss:$0x1], $0xffff  }
0x48: {  	v4 =	vld [tilespmem:s1+$0x18800];
	_ =	sdelay $0x4  }
0x49: {  	v3 =	vadd.f32 v4, v3;
	_ =	sdelay $0x1  }
0x4a: {  	[tilespmem:v0+s1+$0x0 ss:$0x1] =	vst.idx.msk $0xffff, v3  }
0x4b: {  	v3 =	vld.idx.msk [tilespmem:v1+s1+$0x0 ss:$0x1], $0xffff  }
0x4c: {  	v4 =	vld [tilespmem:s1+$0x19440]  }
.Ltmp1:
0x4d: {  	(pc) =	sbr.rel @p0 .LBB2_4-.Ltmp1, $2  }
0x4e: {  	_ =	sdelay $0x2  }
0x4f: {  	v3 =	vadd.f32 v4, v3  }
0x50: {  	_ =	sdelay $0x3  }
0x51: {  	s2 =	sshra.s32 s2, $0x2;
	[tilespmem:v1+s1+$0x0 ss:$0x1] =	vst.idx.msk $0xffff, v3  }
0x52: {  	v3 =	vld.idx.msk [tilespmem:v0+s2+$0x0 ss:$0x1], $0xffff  }
0x53: {  	v4 =	vld [tilespmem:s2+$0x18800];
	_ =	sdelay $0x4  }
0x54: {  	v3 =	vadd.f32 v4, v3;
	_ =	sdelay $0x1  }
0x55: {  	[tilespmem:v0+s2+$0x0 ss:$0x1] =	vst.idx.msk $0xffff, v3  }
0x56: {  	v3 =	vld.idx.msk [tilespmem:v1+s2+$0x0 ss:$0x1], $0xffff  }
0x57: {  	v63 =	vld [tilespmem:s2+$0x19440];
	_ =	sdelay $0x4  }
0x58: {  	v3 =	vadd.f32 v63, v3;
	_ =	sdelay $0x1  }
0x59: {  	[tilespmem:v1+s2+$0x0 ss:$0x1] =	vst.idx.msk $0xffff, v3  }
0x5a: {  	[spmem:s14] =	stream.linear.scatter [tilespmem:s5], [sflag:$0x3], $0xC40, $0x200038;
	[tilespmem:$0x1F790] =	vst v63  }
0x5b: {  	_ =	swait.ge [sflag:s25], $0xC40  }
0x5c: {  	[sflag:s25] =	ssyncset.done $0x0  }
0x5d: {  	[sflag:s25] =	ssyncadd.s32 $0xFFFFF3C0  }
0x5e: {  	[spmem:s15] =	stream.linear.scatter [tilespmem:s10], [sflag:$0x3], $0xC40, $0x200038;
	[tilespmem:$0x1F790] =	vst v63  }
0x5f: {  	_ =	swait.ge [sflag:s25], $0xC40  }
0x60: {  	[sflag:s25] =	ssyncset.done $0x0  }
0x61: {  	[sflag:s25] =	ssyncadd.s32 $0xFFFFF3C0  }
0x62: {  	_ =	strace $0x9000004A  }
0x63: {  	_ =	strace $0x8000004B  }
0x64: {  	[bflag:$0x0] =	sbarrier.arrive $0xFFFF  }
0x65: {  	_ =	strace $0x9000004B  }
0x66: {  	_ =	strace $0x8000004C  }
0x67: {  	[tilespmem:s4], [sflag:$0x3] =	stream.linear.gather [spmem:s20], $0xC400, $0x200038;
	[tilespmem:$0x1F790] =	vst v63  }
0x68: {  	_ =	swait.ge [sflag:s25], $0xC400  }
0x69: {  	[sflag:s25] =	ssyncset.done $0x0  }
0x6a: {  	[sflag:s25] =	ssyncadd.s32 $0xFFFF3C00  }
0x6b: {  	[tilespmem:s26], [sflag:$0x3] =	stream.linear.gather [spmem:s21], $0xC400, $0x200038;
	[tilespmem:$0x1F790] =	vst v63  }
0x6c: {  	_ =	swait.ge [sflag:s25], $0xC400  }
0x6d: {  	[sflag:s25] =	ssyncset.done $0x0  }
0x6e: {  	[sflag:s25] =	ssyncadd.s32 $0xFFFF3C00  }
0x6f: {  	_ =	strace $0x9000004C  }
0x70: {  	_ =	strace $0x8000004D  }
0x71: {  	_ =	swait.ge [sflag:s28], $0x80  }
0x72: {  	s1 =	simm.s32 $0x31;
	[sflag:s28] =	ssyncset.done $0x0  }
.LBB2_6:
0x73: {  	p0 =	sne.s32 s1, $0x1;
	s1 =	sadd.s32 $0xFFFFFFFF, s1;
	[sflag:s28] =	ssyncadd.s32 $0xFFFFFF80  }
.Ltmp2:
0x74: {  	(pc) =	sbr.rel @p0 .LBB2_6-.Ltmp2, $3  }
0x75: {  	_ =	sdelay $0x1  }
0x76: {  	_ =	swait.ge [sflag:s28], $0x80  }
0x77: {  	[sflag:s28] =	ssyncset.done $0x0  }
0x78: {  	[sflag:s28] =	ssyncadd.s32 $0xFFFFFF80  }
0x79: {  	_ =	strace $0x9000004D  }
0x7a: {  	s1 =	simm.s32 $0x1D290;
	_ =	strace $0x8000004E  }
0x7b: {  	v3 =	vld [tilespmem:s1+$0x0];
	_ =	sdelay $0x4  }
0x7c: {  	v6 =	vld [tilespmem:s1+$0xFFFFF380];
	v4 =	vand.u32 $0xFFFF, v3  }
0x7d: {  	s2 =	simm.s32 $0x1A090;
	v3 =	vshrl.u32 v3, $0x10  }
0x7e: {  	v11 =	vld [tilespmem:s2+$0x0]  }
0x7f: {  	v8 =	vld [tilespmem:s1+$0xFFFFFFF0]  }
0x80: {  	v15 =	vld [tilespmem:s2+$0xFFFFFFF0]  }
0x81: {  	v9 =	vand.u32 $0xFFFF, v6;
	v5 =	vld.idx.msk [tilespmem:v4+s4+$0x0], $0xffff  }
0x82: {  	v10 =	vshrl.u32 v6, $0x10;
	v14 =	vld.idx.msk [tilespmem:v3+s4+$0x0], $0xffff  }
0x83: {  	v6 =	vld.idx.msk [tilespmem:v4+s26+$0x0], $0xffff  }
0x84: {  	v4 =	vld [tilespmem:s1+$0xFFFFF370]  }
0x85: {  	v12 =	vand.u32 $0xFFFF, v8;
	v3 =	vld.idx.msk [tilespmem:v3+s26+$0x0], $0xffff  }
0x86: {  	v7 =	vld.idx.msk [tilespmem:v9+s4+$0x0], $0xffff  }
0x87: {  	v13 =	vshrl.u32 v8, $0x10;
	v16 =	vld.idx.msk [tilespmem:v10+s4+$0x0], $0xffff  }
0x88: {  	v8 =	vld.idx.msk [tilespmem:v9+s26+$0x0], $0xffff  }
0x89: {  	v18 =	vld.idx.msk [tilespmem:v10+s26+$0x0], $0xffff;
	v17 =	vand.u32 $0xFFFF, v4  }
0x8a: {  	v9 =	vld.idx.msk [tilespmem:v12+s4+$0x0], $0xffff  }
0x8b: {  	v10 =	vld.idx.msk [tilespmem:v12+s26+$0x0], $0xffff;
	v4 =	vshrl.u32 v4, $0x10  }
0x8c: {  	v19 =	vld.idx.msk [tilespmem:v13+s4+$0x0], $0xffff  }
0x8d: {  	v20 =	vld.idx.msk [tilespmem:v13+s26+$0x0], $0xffff  }
0x8e: {  	v12 =	vld.idx.msk [tilespmem:v17+s4+$0x0], $0xffff  }
0x8f: {  	v13 =	vld.idx.msk [tilespmem:v17+s26+$0x0], $0xffff;
	v17 =	vshrl.u32 v11, $0x10  }
0x90: {  	vm5 =	vmmov vm0;
	vm1 =	vmmov vm0;
	vm2 =	vmmov vm0;
	v21 =	vld.idx.msk [tilespmem:v4+s4+$0x0], $0xffff  }
0x91: {  	p0 =	slt.u32 s0, $0x30D40;
	v14 =	vsub.f32 v14, v5;
	v22 =	vsub.f32 v3, v6;
	v4 =	vld.idx.msk [tilespmem:v4+s26+$0x0], $0xffff;
	v11 =	vand.u32 $0xFFFF, v11  }
0x92: {  	vm7 =	vmmov vm0;
	vm5 =	vmneg @p0 vm5;
	s1 =	simm.s32 $0x1D2B0;
	v3 =	vshrl.u32 v15, $0x10  }
0x93: {  	v24 =	vld [tilespmem:s1+$0x0];
	v18 =	vsub.f32 v18, v8;
	v23 =	vmul.f32 v14, v14;
	v25 =	vmul.f32 v22, v22  }
0x94: {  	v16 =	vsub.f32 v16, v7;
	v15 =	vand.u32 $0xFFFF, v15;
	v19 =	vsub.f32 v19, v9;
	v26 =	vld.idx.msk [tilespmem:v17+s4+$0x0], $0xffff  }
0x95: {  	v20 =	vsub.f32 v20, v10;
	v28 =	vmul.f32 v18, v18;
	v23 =	vadd.f32 v25, v23;
	v29 =	vld.idx.msk [tilespmem:v17+s26+$0x0], $0xffff  }
0x96: {  	v21 =	vsub.f32 v21, v12;
	v27 =	vsub.f32 v4, v13;
	v4 =	vmul.f32 v16, v16;
	v31 =	vld.idx.msk [tilespmem:v11+s4+$0x0], $0xffff  }
0x97: {  	s3 =	sadd.s32 $0x10, s0;
	v30 =	vmul.f32 v20, v20;
	v23 =	vmax.f32 v23, $9.999999960e-13;
	v17 =	vmul.f32 v19, v19;
	v32 =	vld.idx.msk [tilespmem:v11+s26+$0x0], $0xffff  }
0x98: {  	s18 =	sadd.s32 $0xFFFFF390, s0;
	p0 =	slt.u32 s3, $0x30D40;
	v25 =	vmul.f32 v21, v21;
	v11 =	vmul.f32 v27, v27;
	v4 =	vadd.f32 v28, v4;
	v28 =	vld.idx.msk [tilespmem:v3+s4+$0x0], $0xffff  }
0x99: {  	p1 =	slt.u32 s18, $0x30D40;
	vm1 =	vmneg @p0 vm1;
	(erf) = vrcp.f32 v23;
	v17 =	vadd.f32 v30, v17;
	v30 =	vld.idx.msk [tilespmem:v3+s26+$0x0], $0xffff  }
0x9a: {  	vm2 =	vmneg @p1 vm2;
	v3 =	vadd.f32 v11, v25;
	v4 =	vmax.f32 v4, $9.999999960e-13;
	v25 =	vld.idx.msk [tilespmem:v15+s4+$0x0], $0xffff  }
0x9b: {  	v11 =	vmax.f32 v17, $9.999999960e-13;
	v15 =	vld.idx.msk [tilespmem:v15+s26+$0x0], $0xffff;
	v17 =	vand.u32 $0xFFFF, v24;
	(erf) = vrcp.f32 v4  }
0x9c: {  	v24 =	vshrl.u32 v24, $0x10;
	v4 =	vsub.f32 v26, v5;
	(erf) = vrcp.f32 v11  }
0x9d: {  	v33 =	vsub.f32 v32, v8;
	v3 =	vmax.f32 v3, $9.999999960e-13;
	v11 =	vsub.f32 v29, v6  }
0x9e: {  	v38 =	vld [tilespmem:s1+$0xFFFFF380];
	(erf) = vrcp.f32 v3;
	v3 =	vsub.f32 v31, v7;
	v34 =	vsub.f32 v28, v9  }
0x9f: {  	v35 =	vsub.f32 v30, v10;
	v4 =	vmul.f32 v14, v4;
	v11 =	vmul.f32 v22, v11  }
0xa0: {  	s31 =	simm.s32 $0x1A0B0;
	s19 =	sadd.s32 $0xFFFFF380, s0;
	v33 =	vmul.f32 v18, v33;
	v37 =	vsub.f32 v25, v12;
	v39 =	vsub.f32 v15, v13  }
0xa1: {  	p0 =	slt.u32 s19, $0x30D40;
	v36 =	vld [tilespmem:s31+$0x0];
	v40 =	vmul.f32 v16, v3;
	v34 =	vmul.f32 v19, v34;
	v4 =	vadd.f32 v11, v4  }
0xa2: {  	vm7 =	vmneg @p0 vm7;
	v42 =	vpop (erf);
	v3 =	vld.idx.msk [tilespmem:v17+s4+$0x0], $0xffff;
	v35 =	vmul.f32 v20, v35;
	v37 =	vmul.f32 v21, v37  }
0xa3: {  	v62 =	vshrl.u32 v38, $0x10;
	v41 =	vld.idx.msk [tilespmem:v24+s4+$0x0], $0xffff;
	v39 =	vmul.f32 v27, v39;
	v63 =	vmul.f32 v42, v4  }
0xa4: {  	v38 =	vand.u32 $0xFFFF, v38;
	v33 =	vadd.f32 v33, v40;
	v34 =	vadd.f32 v35, v34;
	v60 =	vpop (erf)  }
0xa5: {  	v43 =	vld [tilespmem:s31+$0xFFFFFFF0];
	v23 =	vimm.f32 $0.0e+00;
	v37 =	vadd.f32 v39, v37;
	v42 =	vmax.f32 v63, $0.0e+00;
	v61 =	vpop (erf)  }
0xa6: {  	v33 =	vmul.f32 v60, v33;
	v35 =	vmin.f32 v42, $1.000000000e+00;
	v34 =	vmul.f32 v61, v34  }
0xa7: {  	v11 =	vshrl.u32 v36, $0x10;
	v4 =	vpop (erf);
	v14 =	vmul.f32 v35, v14;
	v22 =	vmul.f32 v35, v22  }
0xa8: {  	v45 =	vld [tilespmem:s1+$0xFFFFFFF0];
	v37 =	vmul.f32 v4, v37;
	v4 =	vsub.f32 v41, v3;
	v33 =	vmax.f32 v33, $0.0e+00  }
0xa9: {  	v34 =	vmax.f32 v34, $0.0e+00;
	v33 =	vmin.f32 v33, $1.000000000e+00;
	v14 =	vadd.f32 v14, v5  }
0xaa: {  	v22 =	vadd.f32 v22, v6;
	v5 =	vld.idx.msk [tilespmem:v17+s26+$0x0], $0xffff;
	v17 =	vshrl.u32 v43, $0x10;
	v37 =	vmax.f32 v37, $0.0e+00  }
0xab: {  	v34 =	vmin.f32 v34, $1.000000000e+00;
	v16 =	vmul.f32 v33, v16;
	v18 =	vmul.f32 v33, v18  }
0xac: {  	v44 =	vmin.f32 v37, $1.000000000e+00;
	v19 =	vmul.f32 v34, v19;
	v20 =	vmul.f32 v34, v20  }
0xad: {  	v14 =	vsub.f32 v26, v14;
	v26 =	vand.u32 $0xFFFF, v45;
	v21 =	vmul.f32 v44, v21  }
0xae: {  	v6 =	vmul.f32 v44, v27;
	v7 =	vadd.f32 v16, v7;
	v8 =	vadd.f32 v18, v8  }
0xaf: {  	v18 =	vand.u32 $0xFFFF, v36;
	v9 =	vadd.f32 v19, v9;
	v10 =	vadd.f32 v20, v10;
	v19 =	vld.idx.msk [tilespmem:v24+s26+$0x0], $0xffff  }
0xb0: {  	v16 =	vand.u32 $0xFFFF, v43;
	v20 =	vsub.f32 v29, v22;
	v24 =	vld [tilespmem:s1+$0xFFFFF370];
	v12 =	vadd.f32 v21, v12  }
0xb1: {  	v22 =	vshrl.u32 v45, $0x10;
	v13 =	vadd.f32 v6, v13;
	v6 =	vld.idx.msk [tilespmem:v38+s4+$0x0], $0xffff;
	v7 =	vsub.f32 v31, v7  }
0xb2: {  	v14 =	vmul.f32 v14, v14;
	v21 =	vld.idx.msk [tilespmem:v62+s4+$0x0], $0xffff;
	v8 =	vsub.f32 v32, v8;
	v9 =	vsub.f32 v28, v9  }
0xb3: {  	v10 =	vsub.f32 v30, v10;
	v20 =	vmul.f32 v20, v20;
	v12 =	vsub.f32 v25, v12  }
0xb4: {  	v13 =	vsub.f32 v15, v13;
	v7 =	vmul.f32 v7, v7;
	v15 =	vmul.f32 v8, v8  }
0xb5: {  	v10 =	vmul.f32 v10, v10;
	v8 =	vsub.f32 v19, v5;
	v19 =	vmul.f32 v9, v9  }
0xb6: {  	v14 =	vadd.f32 v20, v14;
	v12 =	vmul.f32 v12, v12;
	v13 =	vmul.f32 v13, v13  }
0xb7: {  	v15 =	vadd.f32 v15, v7;
	v20 =	vand.u32 $0xFFFF, v24;
	v9 =	vsub.f32 v21, v6  }
0xb8: {  	v21 =	vshrl.u32 v24, $0x10;
	vm6 =	vlt.f32 v14, $2.499999940e-03;
	v12 =	vadd.f32 v13, v12  }
0xb9: {  	vm8 =	vgt.f32 v14, $0.0e+00;
	v13 =	vadd.f32 v10, v19;
	vm3 =	vlt.f32 v15, $2.499999940e-03  }
0xba: {  	v7 =	vld.idx.msk [tilespmem:v38+s26+$0x0], $0xffff;
	vm10 =	vgt.f32 v15, $0.0e+00;
	vm4 =	vlt.f32 v12, $2.499999940e-03;
	vm9 =	vgt.f32 v12, $0.0e+00  }
0xbb: {  	v19 =	vld.idx.msk [tilespmem:v62+s26+$0x0], $0xffff;
	vm12 =	vgt.f32 v13, $0.0e+00;
	vm11 =	vmand vm4, vm9;
	vm9 =	vlt.f32 v13, $2.499999940e-03  }
0xbc: {  	vm4 =	vmand vm3, vm10;
	vm3 =	vmand vm6, vm8;
	v27 =	vnsel vm11, $0x3B23D70A, v12  }
0xbd: {  	vm6 =	vmand vm9, vm12;
	v29 =	vnsel vm3, $0x3B23D70A, v14;
	v28 =	vmul.f32 $4.000000000e+02, v27  }
0xbe: {  	v31 =	vnsel vm4, $0x3B23D70A, v15;
	v30 =	vnsel vm6, $0x3B23D70A, v13;
	v46 =	vmul.f32 $4.000000000e+02, v29  }
0xbf: {  	v24 =	vld.idx.msk [tilespmem:v22+s4+$0x0], $0xffff;
	v48 =	vmul.f32 $4.000000000e+02, v31;
	v47 =	vmul.f32 $4.000000000e+02, v30;
	v13 =	vand.u32 $0x7FFFFF, v28  }
0xc0: {  	v10 =	vld.idx.msk [tilespmem:v26+s4+$0x0], $0xffff;
	v15 =	vsub.f32 v19, v7;
	v14 =	vand.u32 $0x7FFFFF, v46;
	v19 =	vor.u32 $0x3F800000, v13  }
0xc1: {  	v12 =	vld.idx.msk [tilespmem:v26+s26+$0x0], $0xffff;
	v49 =	vand.u32 $0x7FFFFF, v48;
	v26 =	vand.u32 $0x7FFFFF, v47;
	v25 =	vmul.f32 $5.000000000e-01, v19  }
0xc2: {  	v13 =	vld.idx.msk [tilespmem:v20+s4+$0x0], $0xffff;
	v50 =	vor.u32 $0x3F800000, v14;
	vm8 =	vgt.f32 v19, $1.414213540e+00;
	v26 =	vor.u32 $0x3F800000, v26  }
0xc3: {  	v14 =	vld.idx.msk [tilespmem:v20+s26+$0x0], $0xffff;
	v20 =	vor.u32 $0x3F800000, v49;
	v51 =	vsel vm8, v25, v19;
	v19 =	vmul.f32 $5.000000000e-01, v26  }
0xc4: {  	v53 =	vmul.f32 $5.000000000e-01, v20;
	vm9 =	vgt.f32 v26, $1.414213540e+00;
	v52 =	vadd.f32 $1.000000000e+00, v51  }
0xc5: {  	v31 =	vadd.f32 $-2.499999940e-03, v31;
	vm10 =	vgt.f32 v20, $1.414213540e+00;
	v54 =	vsel vm9, v19, v26  }
0xc6: {  	v38 =	vsel vm10, v53, v20;
	v55 =	vadd.f32 $1.000000000e+00, v54;
	(erf) = vrcp.f32 v52  }
0xc7: {  	vm7 =	vmand vm7, vm11;
	v19 =	vsub.f32 v24, v10;
	v24 =	vadd.f32 $1.000000000e+00, v38  }
0xc8: {  	v29 =	vadd.f32 $-2.499999940e-03, v29;
	v26 =	vmul.f32 $5.000000000e-01, v50;
	(erf) = vrcp.f32 v55  }
0xc9: {  	v27 =	vadd.f32 $-2.499999940e-03, v27;
	vm12 =	vgt.f32 v50, $1.414213540e+00;
	(erf) = vrcp.f32 v24  }
0xca: {  	vm5 =	vmand vm5, vm6;
	v30 =	vadd.f32 $-2.499999940e-03, v30;
	v56 =	vsel vm12, v26, v50  }
0xcb: {  	v31 =	vmul.f32 v31, v31;
	v36 =	vmul.f32 v29, v29;
	v26 =	vadd.f32 $1.000000000e+00, v56  }
0xcc: {  	v27 =	vmul.f32 v27, v27;
	v34 =	vshrl.u32 v48, $0x17;
	v32 =	vshrl.u32 v46, $0x17  }
0xcd: {  	v28 =	vshrl.u32 v28, $0x17;
	v30 =	vmul.f32 v30, v30;
	(erf) = vrcp.f32 v26  }
0xce: {  	v33 =	vshrl.u32 v47, $0x17;
	v34 =	vand.u32 $0xFF, v34;
	v29 =	vadd.f32 $-1.000000000e+00, v51  }
0xcf: {  	v32 =	vand.u32 $0xFF, v32;
	v28 =	vand.u32 $0xFF, v28;
	v33 =	vand.u32 $0xFF, v33;
	v57 =	vpop (erf)  }
0xd0: {  	v27 =	vsub.f32 $0.0e+00, v27;
	v58 =	vadd.f32 $-1.000000000e+00, v54;
	v29 =	vmul.f32 v57, v29  }
0xd1: {  	v32 =	vadd.s32 $0xFFFFFF81, v32;
	v34 =	vadd.s32 $0xFFFFFF81, v34;
	v38 =	vadd.f32 $-1.000000000e+00, v38;
	v59 =	vpop (erf)  }
0xd2: {  	v22 =	vld.idx.msk [tilespmem:v22+s26+$0x0], $0xffff;
	v28 =	vadd.s32 $0xFFFFFF81, v28;
	v60 =	vmul.f32 v29, v29;
	v37 =	vmul.f32 v59, v58;
	v61 =	vpop (erf)  }
0xd3: {  	v30 =	vsub.f32 $0.0e+00, v30;
	v33 =	vadd.s32 $0xFFFFFF81, v33;
	v38 =	vmul.f32 v61, v38  }
0xd4: {  	v46 =	vsel vm12, $0x3F800000, v2;
	v62 =	vmul.f32 $2.222222240e-01, v60;
	v63 =	vmul.f32 v37, v37  }
0xd5: {  	v48 =	vsel vm10, $0x3F800000, v2;
	v32 =	vcvt.s32.f32 v32;
	v35 =	vadd.f32 $-1.000000000e+00, v56  }
0xd6: {  	v50 =	vpop (erf);
	v43 =	vmul.f32 v38, v38;
	v39 =	vadd.f32 $2.857142980e-01, v62;
	v51 =	vmul.f32 $2.222222240e-01, v63  }
0xd7: {  	v34 =	vcvt.s32.f32 v34;
	v20 =	vsub.f32 v22, v12;
	v35 =	vmul.f32 v50, v35  }
0xd8: {  	v45 =	vmul.f32 $2.222222240e-01, v43;
	v39 =	vmul.f32 v39, v60;
	v42 =	vadd.f32 $2.857142980e-01, v51  }
0xd9: {  	v49 =	vsel vm9, $0x3F800000, v2;
	v33 =	vcvt.s32.f32 v33;
	v44 =	vmul.f32 v35, v35  }
0xda: {  	v45 =	vadd.f32 $2.857142980e-01, v45;
	v39 =	vadd.f32 $4.000000060e-01, v39;
	v42 =	vmul.f32 v42, v63  }
0xdb: {  	v34 =	vadd.f32 v34, v48;
	v32 =	vadd.f32 v32, v46;
	v47 =	vmul.f32 $2.222222240e-01, v44  }
0xdc: {  	v45 =	vmul.f32 v45, v43;
	v39 =	vmul.f32 v39, v60;
	v42 =	vadd.f32 $4.000000060e-01, v42  }
0xdd: {  	v28 =	vcvt.s32.f32 v28;
	v33 =	vadd.f32 v33, v49;
	v47 =	vadd.f32 $2.857142980e-01, v47  }
0xde: {  	v25 =	vld.idx.msk [tilespmem:v21+s4+$0x0], $0xffff;
	v45 =	vadd.f32 $4.000000060e-01, v45;
	v39 =	vadd.f32 $6.666666860e-01, v39;
	v42 =	vmul.f32 v42, v63  }
0xdf: {  	v34 =	vmul.f32 $6.931471820e-01, v34;
	v50 =	vsel vm8, $0x3F800000, v2;
	v47 =	vmul.f32 v47, v44  }
0xe0: {  	v53 =	vmul.f32 v45, v43;
	v39 =	vmul.f32 v39, v60;
	v52 =	vadd.f32 $6.666666860e-01, v42  }
0xe1: {  	v33 =	vmul.f32 $6.931471820e-01, v33;
	v28 =	vadd.f32 v28, v50;
	v47 =	vadd.f32 $4.000000060e-01, v47  }
0xe2: {  	v21 =	vld.idx.msk [tilespmem:v21+s26+$0x0], $0xffff;
	v55 =	vadd.f32 $6.666666860e-01, v53;
	v39 =	vadd.f32 $2.000000000e+00, v39;
	v40 =	vmul.f32 v52, v63  }
0xe3: {  	v22 =	vsub.f32 v25, v13;
	v28 =	vmul.f32 $6.931471820e-01, v28;
	v54 =	vmul.f32 v47, v44  }
0xe4: {  	v58 =	vmul.f32 v55, v43;
	v29 =	vmul.f32 v39, v29;
	v57 =	vadd.f32 $2.000000000e+00, v40  }
0xe5: {  	v25 =	vmul.f32 v8, v8;
	v24 =	vmul.f32 v4, v4;
	v56 =	vadd.f32 $6.666666860e-01, v54  }
0xe6: {  	v60 =	vadd.f32 $2.000000000e+00, v58;
	v28 =	vadd.f32 v29, v28;
	v29 =	vmul.f32 v57, v37  }
0xe7: {  	v21 =	vsub.f32 v21, v14;
	v26 =	vmul.f32 v9, v9;
	v59 =	vmul.f32 v56, v44  }
0xe8: {  	v37 =	vmul.f32 v60, v38;
	v62 =	vmul.f32 v28, v27;
	v33 =	vadd.f32 v29, v33  }
0xe9: {  	v61 =	vadd.f32 $2.000000000e+00, v59;
	v29 =	vsub.f32 $0.0e+00, v31;
	v28 =	vmul.f32 $6.931471820e-01, v32  }
0xea: {  	v31 =	vadd.f32 v37, v34;
	v63 =	vnsel vm7, $0x0, v62;
	v32 =	vmul.f32 v33, v30  }
0xeb: {  	s18 =	smov.u32 s0;
	s2 =	simm.s32 $0x1D2D0;
	s1 =	simm.s32 $0x2;
	v27 =	vmul.f32 v61, v35;
	v30 =	vadd.f32 v63, v23;
	v23 =	vsub.f32 $0.0e+00, v36  }
.LBB2_8:
0xec: {  	v32 =	vnsel vm5, $0x0, v32;
	v29 =	vmul.f32 v31, v29  }
0xed: {  	v33 =	vld [tilespmem:s2+$0x0];
	v31 =	vadd.f32 v27, v28;
	v34 =	vmul.f32 v15, v15;
	vm2 =	vmand vm2, vm4  }
0xee: {  	vm1 =	vmand vm1, vm3;
	v35 =	vmul.f32 v22, v22;
	v27 =	vld.idx.msk [tilespmem:v11+s4+$0x0], $0xffff;
	v30 =	vadd.f32 v32, v30  }
0xef: {  	v32 =	vmul.f32 v19, v19;
	v28 =	vld.idx.msk [tilespmem:v11+s26+$0x0], $0xffff;
	v11 =	vnsel vm2, $0x0, v29;
	v23 =	vmul.f32 v31, v23  }
0xf0: {  	vm5 =	vmmov vm0;
	v31 =	vmul.f32 v20, v20;
	v29 =	vld.idx.msk [tilespmem:v18+s4+$0x0], $0xffff;
	v11 =	vadd.f32 v11, v30  }
0xf1: {  	s18 =	sadd.s32 $0x20, s18;
	vm7 =	vmmov vm0;
	v30 =	vld.idx.msk [tilespmem:v18+s26+$0x0], $0xffff;
	v18 =	vadd.f32 v25, v24;
	v23 =	vnsel vm1, $0x0, v23  }
0xf2: {  	p0 =	slt.u32 s18, $0x30D40;
	v34 =	vadd.f32 v34, v26;
	v24 =	vmul.f32 v21, v21;
	v25 =	vld.idx.msk [tilespmem:v17+s4+$0x0], $0xffff;
	v23 =	vadd.f32 v23, v11  }
0xf3: {  	vm5 =	vmneg @p0 vm5;
	v11 =	vadd.f32 v31, v32;
	v26 =	vld.idx.msk [tilespmem:v17+s26+$0x0], $0xffff;
	v17 =	vmax.f32 v18, $9.999999960e-13  }
0xf4: {  	v18 =	vadd.f32 v24, v35;
	v24 =	vmax.f32 v34, $9.999999960e-13;
	v31 =	vld.idx.msk [tilespmem:v16+s4+$0x0], $0xffff;
	(erf) = vrcp.f32 v17  }
0xf5: {  	v17 =	vshrl.u32 v33, $0x10;
	v11 =	vmax.f32 v11, $9.999999960e-13;
	v32 =	vld.idx.msk [tilespmem:v16+s26+$0x0], $0xffff;
	(erf) = vrcp.f32 v24  }
0xf6: {  	v16 =	vand.u32 $0xFFFF, v33;
	v18 =	vmax.f32 v18, $9.999999960e-13;
	(erf) = vrcp.f32 v11  }
0xf7: {  	v24 =	vsub.f32 v28, v5;
	v11 =	vsub.f32 v27, v3;
	(erf) = vrcp.f32 v18  }
0xf8: {  	s31 =	sadd.s32 $0x20, s31;
	vm2 =	vmmov vm0;
	v33 =	vsub.f32 v30, v7;
	v18 =	vsub.f32 v29, v6  }
0xf9: {  	vm1 =	vmmov vm0;
	v35 =	vsub.f32 v25, v10;
	v36 =	vsub.f32 v26, v12;
	v34 =	vld [tilespmem:s31+$0x0]  }
0xfa: {  	s3 =	sadd.s32 $0x10, s18;
	v24 =	vmul.f32 v8, v24;
	v11 =	vmul.f32 v4, v11;
	v38 =	vsub.f32 v31, v13;
	v37 =	vld [tilespmem:s2+$0xFFFFF380]  }
0xfb: {  	s19 =	sadd.s32 $0xFFFFF390, s18;
	p0 =	slt.u32 s3, $0x30D40;
	v43 =	vmul.f32 v15, v33;
	v18 =	vmul.f32 v9, v18;
	v40 =	vsub.f32 v32, v14;
	v39 =	vld.idx.msk [tilespmem:v16+s4+$0x0], $0xffff  }
0xfc: {  	s3 =	sadd.s32 $0xFFFFF380, s18;
	p1 =	slt.u32 s19, $0x30D40;
	vm1 =	vmneg @p0 vm1;
	v35 =	vmul.f32 v19, v35;
	v44 =	vmul.f32 v20, v36;
	v41 =	vld.idx.msk [tilespmem:v17+s4+$0x0], $0xffff  }
0xfd: {  	vm2 =	vmneg @p1 vm2;
	p0 =	slt.u32 s3, $0x30D40;
	v38 =	vmul.f32 v22, v38;
	v40 =	vmul.f32 v21, v40;
	v42 =	vpop (erf)  }
0xfe: {  	vm7 =	vmneg @p0 vm7;
	v18 =	vadd.f32 v43, v18;
	v43 =	vadd.f32 v24, v11;
	v33 =	vpop (erf)  }
0xff: {  	v35 =	vadd.f32 v44, v35;
	v11 =	vshrl.u32 v34, $0x10;
	v38 =	vadd.f32 v40, v38;
	v36 =	vpop (erf)  }
0x100: {  	v40 =	vshrl.u32 v37, $0x10;
	v18 =	vmul.f32 v33, v18;
	v33 =	vmul.f32 v42, v43;
	v24 =	vpop (erf)  }
0x101: {  	v37 =	vand.u32 $0xFFFF, v37;
	v35 =	vmul.f32 v36, v35;
	v38 =	vmul.f32 v24, v38  }
0x102: {  	v24 =	vsub.f32 v41, v39;
	v18 =	vmax.f32 v18, $0.0e+00;
	v33 =	vmax.f32 v33, $0.0e+00  }
0x103: {  	v35 =	vmax.f32 v35, $0.0e+00;
	v33 =	vmin.f32 v33, $1.000000000e+00;
	v36 =	vmax.f32 v38, $0.0e+00  }
0x104: {  	v18 =	vmin.f32 v18, $1.000000000e+00;
	v38 =	vmul.f32 v33, v4;
	v8 =	vmul.f32 v33, v8;
	v4 =	vmovc v24  }
0x105: {  	v35 =	vmin.f32 v35, $1.000000000e+00;
	v9 =	vmul.f32 v18, v9;
	v15 =	vmul.f32 v18, v15;
	v33 =	vld [tilespmem:s31+$0xFFFFFFF0]  }
0x106: {  	v18 =	vmin.f32 v36, $1.000000000e+00;
	v19 =	vmul.f32 v35, v19;
	v20 =	vmul.f32 v35, v20  }
0x107: {  	v22 =	vmul.f32 v18, v22;
	v36 =	vadd.f32 v38, v3;
	v8 =	vadd.f32 v8, v5;
	v3 =	vmovc v39;
	v35 =	vld [tilespmem:s2+$0xFFFFFFF0]  }
0x108: {  	v9 =	vadd.f32 v9, v6;
	v7 =	vadd.f32 v15, v7;
	v5 =	vld.idx.msk [tilespmem:v16+s26+$0x0], $0xffff;
	v16 =	vmul.f32 v18, v21  }
0x109: {  	v10 =	vadd.f32 v19, v10;
	v12 =	vadd.f32 v20, v12;
	v18 =	vand.u32 $0xFFFF, v34;
	v15 =	vld.idx.msk [tilespmem:v17+s26+$0x0], $0xffff  }
0x10a: {  	v13 =	vadd.f32 v22, v13;
	v17 =	vshrl.u32 v33, $0x10;
	v6 =	vld.idx.msk [tilespmem:v37+s4+$0x0], $0xffff;
	v14 =	vadd.f32 v16, v14  }
0x10b: {  	v20 =	vsub.f32 v27, v36;
	v8 =	vsub.f32 v28, v8;
	v16 =	vand.u32 $0xFFFF, v33;
	v19 =	vld.idx.msk [tilespmem:v40+s4+$0x0], $0xffff  }
0x10c: {  	v9 =	vsub.f32 v29, v9;
	v7 =	vsub.f32 v30, v7;
	v21 =	vshrl.u32 v35, $0x10  }
0x10d: {  	v10 =	vsub.f32 v25, v10;
	v12 =	vsub.f32 v26, v12;
	v27 =	vand.u32 $0xFFFF, v35;
	v22 =	vld [tilespmem:s2+$0xFFFFF370]  }
0x10e: {  	v13 =	vsub.f32 v31, v13;
	v20 =	vmul.f32 v20, v20;
	v25 =	vmul.f32 v8, v8  }
0x10f: {  	v26 =	vmul.f32 v9, v9;
	v7 =	vmul.f32 v7, v7;
	v14 =	vsub.f32 v32, v14  }
0x110: {  	v10 =	vmul.f32 v10, v10;
	v12 =	vmul.f32 v12, v12;
	v8 =	vsub.f32 v15, v5  }
0x111: {  	v13 =	vmul.f32 v13, v13;
	v14 =	vmul.f32 v14, v14;
	v9 =	vsub.f32 v19, v6  }
0x112: {  	v20 =	vadd.f32 v25, v20;
	v15 =	vadd.f32 v7, v26;
	v19 =	vshrl.u32 v22, $0x10  }
0x113: {  	v13 =	vadd.f32 v14, v13;
	v14 =	vadd.f32 v12, v10;
	v22 =	vand.u32 $0xFFFF, v22  }
0x114: {  	vm6 =	vlt.f32 v20, $2.499999940e-03;
	vm8 =	vgt.f32 v20, $0.0e+00;
	vm3 =	vlt.f32 v15, $2.499999940e-03;
	v7 =	vld.idx.msk [tilespmem:v37+s26+$0x0], $0xffff  }
0x115: {  	vm10 =	vgt.f32 v15, $0.0e+00;
	vm4 =	vlt.f32 v13, $2.499999940e-03;
	vm9 =	vgt.f32 v13, $0.0e+00;
	v25 =	vld.idx.msk [tilespmem:v40+s26+$0x0], $0xffff  }
0x116: {  	vm12 =	vgt.f32 v14, $0.0e+00;
	vm11 =	vmand vm4, vm9;
	vm9 =	vlt.f32 v14, $2.499999940e-03  }
0x117: {  	vm4 =	vmand vm3, vm10;
	vm3 =	vmand vm6, vm8;
	v28 =	vnsel vm11, $0x3B23D70A, v13  }
0x118: {  	vm6 =	vmand vm9, vm12;
	v26 =	vnsel vm3, $0x3B23D70A, v20;
	v29 =	vmul.f32 $4.000000000e+02, v28;
	v10 =	vld.idx.msk [tilespmem:v27+s4+$0x0], $0xffff  }
0x119: {  	v30 =	vnsel vm4, $0x3B23D70A, v15;
	v31 =	vmul.f32 $4.000000000e+02, v26;
	v12 =	vld.idx.msk [tilespmem:v27+s26+$0x0], $0xffff;
	v27 =	vnsel vm6, $0x3B23D70A, v14  }
0x11a: {  	v33 =	vmul.f32 $4.000000000e+02, v30;
	v13 =	vand.u32 $0x7FFFFF, v29;
	v20 =	vld.idx.msk [tilespmem:v21+s4+$0x0], $0xffff;
	v32 =	vmul.f32 $4.000000000e+02, v27  }
0x11b: {  	v34 =	vand.u32 $0x7FFFFF, v31;
	v15 =	vsub.f32 v25, v7;
	v25 =	vor.u32 $0x3F800000, v13;
	v21 =	vld.idx.msk [tilespmem:v21+s26+$0x0], $0xffff  }
0x11c: {  	v37 =	vand.u32 $0x7FFFFF, v33;
	v35 =	vmul.f32 $5.000000000e-01, v25;
	v13 =	vld.idx.msk [tilespmem:v22+s4+$0x0], $0xffff;
	v36 =	vand.u32 $0x7FFFFF, v32  }
0x11d: {  	v34 =	vor.u32 $0x3F800000, v34;
	vm8 =	vgt.f32 v25, $1.414213540e+00;
	v14 =	vld.idx.msk [tilespmem:v22+s26+$0x0], $0xffff;
	v22 =	vor.u32 $0x3F800000, v36  }
0x11e: {  	v37 =	vor.u32 $0x3F800000, v37;
	v35 =	vsel vm8, v35, v25;
	v36 =	vld.idx.msk [tilespmem:v19+s4+$0x0], $0xffff;
	v25 =	vmul.f32 $5.000000000e-01, v22  }
0x11f: {  	v39 =	vmul.f32 $5.000000000e-01, v37;
	vm9 =	vgt.f32 v22, $1.414213540e+00;
	v38 =	vld.idx.msk [tilespmem:v19+s26+$0x0], $0xffff;
	v19 =	vadd.f32 $1.000000000e+00, v35  }
0x120: {  	vm10 =	vgt.f32 v37, $1.414213540e+00;
	v40 =	vsel vm9, v25, v22;
	v22 =	vmul.f32 $5.000000000e-01, v34  }
0x121: {  	v37 =	vsel vm10, v39, v37;
	v25 =	vadd.f32 $1.000000000e+00, v40;
	(erf) = vrcp.f32 v19  }
0x122: {  	vm12 =	vgt.f32 v34, $1.414213540e+00;
	v39 =	vadd.f32 $1.000000000e+00, v37;
	v19 =	vsub.f32 v20, v10  }
0x123: {  	v20 =	vsub.f32 v21, v12;
	v34 =	vsel vm12, v22, v34;
	(erf) = vrcp.f32 v25  }
0x124: {  	v22 =	vsub.f32 v36, v13;
	v36 =	vadd.f32 $1.000000000e+00, v34;
	(erf) = vrcp.f32 v39  }
0x125: {  	v24 =	vmul.f32 v24, v4;
	v25 =	vmul.f32 v8, v8;
	v21 =	vsub.f32 v38, v14  }
0x126: {  	v30 =	vadd.f32 $-2.499999940e-03, v30;
	v38 =	vadd.f32 $-2.499999940e-03, v26;
	(erf) = vrcp.f32 v36  }
0x127: {  	v28 =	vadd.f32 $-2.499999940e-03, v28;
	v27 =	vadd.f32 $-2.499999940e-03, v27;
	v26 =	vmul.f32 v9, v9  }
0x128: {  	vm7 =	vmand vm7, vm11;
	v30 =	vmul.f32 v30, v30;
	v36 =	vmul.f32 v38, v38  }
0x129: {  	v28 =	vmul.f32 v28, v28;
	v27 =	vmul.f32 v27, v27;
	v35 =	vadd.f32 $-1.000000000e+00, v35  }
0x12a: {  	v33 =	vshrl.u32 v33, $0x17;
	v31 =	vshrl.u32 v31, $0x17;
	v32 =	vshrl.u32 v32, $0x17;
	v38 =	vpop (erf)  }
0x12b: {  	v29 =	vshrl.u32 v29, $0x17;
	v35 =	vmul.f32 v38, v35;
	v38 =	vadd.f32 $-1.000000000e+00, v40  }
0x12c: {  	v33 =	vand.u32 $0xFF, v33;
	v31 =	vand.u32 $0xFF, v31;
	v37 =	vadd.f32 $-1.000000000e+00, v37;
	v39 =	vpop (erf)  }
0x12d: {  	v32 =	vand.u32 $0xFF, v32;
	v40 =	vmul.f32 v35, v35;
	v38 =	vmul.f32 v39, v38;
	v39 =	vpop (erf)  }
0x12e: {  	v29 =	vand.u32 $0xFF, v29;
	v34 =	vadd.f32 $-1.000000000e+00, v34;
	v37 =	vmul.f32 v39, v37  }
0x12f: {  	v41 =	vsub.f32 $0.0e+00, v27;
	v39 =	vmul.f32 $2.222222240e-01, v40;
	v27 =	vmul.f32 v38, v38;
	v42 =	vpop (erf)  }
0x130: {  	v28 =	vsub.f32 $0.0e+00, v28;
	v31 =	vadd.s32 $0xFFFFFF81, v31;
	v34 =	vmul.f32 v42, v34  }
0x131: {  	v43 =	vmul.f32 v37, v37;
	v39 =	vadd.f32 $2.857142980e-01, v39;
	v42 =	vmul.f32 $2.222222240e-01, v27  }
0x132: {  	v33 =	vadd.s32 $0xFFFFFF81, v33;
	v32 =	vadd.s32 $0xFFFFFF81, v32;
	v44 =	vmul.f32 v34, v34  }
0x133: {  	v45 =	vmul.f32 $2.222222240e-01, v43;
	v39 =	vmul.f32 v39, v40;
	v42 =	vadd.f32 $2.857142980e-01, v42  }
0x134: {  	v29 =	vadd.s32 $0xFFFFFF81, v29;
	v46 =	vsel vm12, $0x3F800000, v2;
	v47 =	vmul.f32 $2.222222240e-01, v44  }
0x135: {  	v45 =	vadd.f32 $2.857142980e-01, v45;
	v39 =	vadd.f32 $4.000000060e-01, v39;
	v42 =	vmul.f32 v42, v27  }
0x136: {  	v48 =	vsel vm10, $0x3F800000, v2;
	v31 =	vcvt.s32.f32 v31;
	v47 =	vadd.f32 $2.857142980e-01, v47  }
0x137: {  	v45 =	vmul.f32 v45, v43;
	v39 =	vmul.f32 v39, v40;
	v42 =	vadd.f32 $4.000000060e-01, v42  }
0x138: {  	v33 =	vcvt.s32.f32 v33;
	v49 =	vsel vm9, $0x3F800000, v2;
	v47 =	vmul.f32 v47, v44  }
0x139: {  	v45 =	vadd.f32 $4.000000060e-01, v45;
	v39 =	vadd.f32 $6.666666860e-01, v39;
	v42 =	vmul.f32 v42, v27  }
0x13a: {  	v29 =	vcvt.s32.f32 v29;
	v50 =	vsel vm8, $0x3F800000, v2;
	v47 =	vadd.f32 $4.000000060e-01, v47  }
0x13b: {  	v39 =	vmul.f32 v39, v40;
	v40 =	vadd.f32 $6.666666860e-01, v42;
	v42 =	vmul.f32 v45, v43  }
0x13c: {  	v29 =	vadd.f32 v29, v50;
	v32 =	vcvt.s32.f32 v32;
	v45 =	vmul.f32 v47, v44  }
0x13d: {  	v39 =	vadd.f32 $2.000000000e+00, v39;
	v27 =	vmul.f32 v40, v27;
	v40 =	vadd.f32 $6.666666860e-01, v42  }
0x13e: {  	v29 =	vmul.f32 $6.931471820e-01, v29;
	v32 =	vadd.f32 v32, v49;
	v42 =	vadd.f32 $6.666666860e-01, v45  }
0x13f: {  	v35 =	vmul.f32 v39, v35;
	v27 =	vadd.f32 $2.000000000e+00, v27;
	v39 =	vmul.f32 v40, v43  }
0x140: {  	s1 =	sadd.s32 $0x2, s1;
	v33 =	vadd.f32 v33, v48;
	v32 =	vmul.f32 $6.931471820e-01, v32;
	v40 =	vmul.f32 v42, v44  }
0x141: {  	p0 =	slt.u32 s1, $0xC6;
	v29 =	vadd.f32 v35, v29;
	v27 =	vmul.f32 v27, v38;
	v35 =	vadd.f32 $2.000000000e+00, v39  }
.Ltmp3:
0x142: {  	v31 =	vadd.f32 v31, v46;
	v33 =	vmul.f32 $6.931471820e-01, v33;
	v38 =	vadd.f32 $2.000000000e+00, v40;
	(pc) =	sbr.rel @p0 .LBB2_8-.Ltmp3, $4  }
0x143: {  	v39 =	vmul.f32 v29, v28;
	v32 =	vadd.f32 v27, v32;
	v35 =	vmul.f32 v35, v37  }
0x144: {  	v29 =	vsub.f32 $0.0e+00, v30;
	v28 =	vmul.f32 $6.931471820e-01, v31;
	v27 =	vmul.f32 v38, v34  }
0x145: {  	v30 =	vnsel vm7, $0x0, v39;
	v32 =	vmul.f32 v32, v41;
	v31 =	vadd.f32 v35, v33  }
0x146: {  	s2 =	sadd.s32 $0x20, s2;
	vm5 =	vmand vm5, vm6;
	v30 =	vadd.f32 v30, v23;
	v23 =	vsub.f32 $0.0e+00, v36  }
0x147: {  	_ =	sdelay $0x3  }
0x148: {  	v33 =	vmul.f32 v15, v15;
	v34 =	vld.idx.msk [tilespmem:v11+s4+$0x0], $0xffff  }
0x149: {  	v11 =	vld.idx.msk [tilespmem:v11+s26+$0x0], $0xffff;
	v24 =	vadd.f32 v25, v24  }
0x14a: {  	v46 =	vmul.f32 v19, v19;
	v35 =	vmul.f32 v20, v20;
	v36 =	vld.idx.msk [tilespmem:v18+s4+$0x0], $0xffff;
	v26 =	vadd.f32 v33, v26  }
0x14b: {  	v47 =	vmul.f32 v22, v22;
	v18 =	vld.idx.msk [tilespmem:v18+s26+$0x0], $0xffff;
	v37 =	vmul.f32 v21, v21;
	v24 =	vmax.f32 v24, $9.999999960e-13  }
0x14c: {  	v38 =	vld.idx.msk [tilespmem:v17+s4+$0x0], $0xffff;
	v25 =	vadd.f32 v35, v46;
	(erf) = vrcp.f32 v24;
	v26 =	vmax.f32 v26, $9.999999960e-13  }
0x14d: {  	v17 =	vld.idx.msk [tilespmem:v17+s26+$0x0], $0xffff;
	v48 =	vadd.f32 v37, v47;
	(erf) = vrcp.f32 v26  }
0x14e: {  	vm2 =	vmand vm2, vm4;
	vm1 =	vmand vm1, vm3;
	v25 =	vmax.f32 v25, $9.999999960e-13;
	v26 =	vld.idx.msk [tilespmem:v16+s4+$0x0], $0xffff  }
0x14f: {  	v24 =	vmax.f32 v48, $9.999999960e-13;
	v16 =	vld.idx.msk [tilespmem:v16+s26+$0x0], $0xffff;
	v49 =	vsub.f32 v34, v3;
	(erf) = vrcp.f32 v25  }
0x150: {  	v50 =	vsub.f32 v11, v5;
	v51 =	vsub.f32 v36, v6;
	(erf) = vrcp.f32 v24  }
0x151: {  	vm3 =	vmmov vm0;
	v52 =	vsub.f32 v18, v7;
	v53 =	vsub.f32 v38, v10  }
0x152: {  	v39 =	vsub.f32 v17, v12;
	v25 =	vmul.f32 v4, v49;
	v33 =	vmul.f32 v8, v50  }
0x153: {  	v24 =	vmul.f32 v9, v51;
	v35 =	vmul.f32 v15, v52;
	v40 =	vsub.f32 v26, v13  }
0x154: {  	v37 =	vmul.f32 v19, v53;
	v25 =	vadd.f32 v33, v25;
	v54 =	vsub.f32 v16, v14  }
0x155: {  	v39 =	vmul.f32 v20, v39;
	v24 =	vadd.f32 v35, v24;
	v40 =	vmul.f32 v22, v40;
	v55 =	vpop (erf)  }
0x156: {  	vm11 =	vmmov vm0;
	v33 =	vmul.f32 v21, v54;
	v25 =	vmul.f32 v55, v25;
	v56 =	vpop (erf)  }
0x157: {  	v47 =	vnsel vm5, $0x0, v32;
	v37 =	vadd.f32 v39, v37;
	v24 =	vmul.f32 v56, v24  }
0x158: {  	v49 =	vadd.f32 v27, v28;
	v33 =	vadd.f32 v33, v40;
	v57 =	vpop (erf);
	v25 =	vmax.f32 v25, $0.0e+00  }
0x159: {  	v35 =	vmul.f32 v57, v37;
	v58 =	vpop (erf);
	v25 =	vmin.f32 v25, $1.000000000e+00;
	v24 =	vmax.f32 v24, $0.0e+00  }
0x15a: {  	v33 =	vmul.f32 v58, v33;
	v59 =	vmul.f32 v25, v4;
	v24 =	vmin.f32 v24, $1.000000000e+00  }
0x15b: {  	v60 =	vmul.f32 v25, v8;
	v61 =	vmax.f32 v35, $0.0e+00;
	v62 =	vmul.f32 v24, v9  }
0x15c: {  	v63 =	vmul.f32 v24, v15;
	v33 =	vmax.f32 v33, $0.0e+00;
	v25 =	vmin.f32 v61, $1.000000000e+00  }
0x15d: {  	v3 =	vadd.f32 v59, v3;
	v40 =	vadd.f32 v60, v5;
	v24 =	vmin.f32 v33, $1.000000000e+00  }
0x15e: {  	v35 =	vmul.f32 v25, v19;
	v37 =	vmul.f32 v25, v20;
	v42 =	vadd.f32 v62, v6  }
0x15f: {  	s1 =	sadd.s32 $0x20, s18;
	v39 =	vmul.f32 v24, v22;
	v43 =	vadd.f32 v63, v7;
	v3 =	vsub.f32 v34, v3  }
0x160: {  	p0 =	slt.u32 s1, $0x30D40;
	v41 =	vmul.f32 v24, v21;
	v4 =	vsub.f32 v11, v40;
	v44 =	vadd.f32 v35, v10  }
0x161: {  	vm3 =	vmneg @p0 vm3;
	v45 =	vadd.f32 v37, v12;
	v46 =	vadd.f32 v39, v13  }
0x162: {  	v48 =	vmul.f32 v31, v29;
	v5 =	vadd.f32 v41, v14;
	v6 =	vsub.f32 v36, v42  }
0x163: {  	v7 =	vsub.f32 v18, v43;
	v3 =	vmul.f32 v3, v3;
	v8 =	vsub.f32 v38, v44  }
0x164: {  	v4 =	vmul.f32 v4, v4;
	v10 =	vsub.f32 v26, v46;
	v5 =	vsub.f32 v16, v5  }
0x165: {  	v9 =	vsub.f32 v17, v45;
	v6 =	vmul.f32 v6, v6;
	v7 =	vmul.f32 v7, v7  }
0x166: {  	v3 =	vadd.f32 v4, v3;
	v10 =	vmul.f32 v10, v10;
	v5 =	vmul.f32 v5, v5  }
0x167: {  	v8 =	vmul.f32 v8, v8;
	v9 =	vmul.f32 v9, v9;
	v6 =	vadd.f32 v7, v6  }
0x168: {  	v50 =	vnsel vm2, $0x0, v48;
	vm14 =	vlt.f32 v3, $2.499999940e-03;
	v5 =	vadd.f32 v5, v10  }
0x169: {  	vm6 =	vgt.f32 v3, $0.0e+00;
	v51 =	vadd.f32 v9, v8;
	vm2 =	vlt.f32 v6, $2.499999940e-03  }
0x16a: {  	vm8 =	vgt.f32 v6, $0.0e+00;
	vm15 =	vlt.f32 v5, $2.499999940e-03;
	vm7 =	vgt.f32 v5, $0.0e+00  }
0x16b: {  	vm9 =	vlt.f32 v51, $2.499999940e-03;
	vm10 =	vgt.f32 v51, $0.0e+00;
	vm7 =	vmand vm15, vm7  }
0x16c: {  	vm4 =	vmand vm2, vm8;
	vm2 =	vmand vm14, vm6;
	v5 =	vnsel vm7, $0x3B23D70A, v5  }
0x16d: {  	vm5 =	vmand vm9, vm10;
	v3 =	vnsel vm2, $0x3B23D70A, v3;
	v52 =	vmul.f32 $4.000000000e+02, v5  }
0x16e: {  	v6 =	vnsel vm4, $0x3B23D70A, v6;
	v7 =	vnsel vm5, $0x3B23D70A, v51;
	v53 =	vmul.f32 $4.000000000e+02, v3  }
0x16f: {  	v56 =	vmul.f32 $4.000000000e+02, v6;
	v55 =	vmul.f32 $4.000000000e+02, v7;
	v54 =	vand.u32 $0x7FFFFF, v52  }
0x170: {  	v13 =	vmul.f32 v49, v23;
	v57 =	vand.u32 $0x7FFFFF, v53;
	v10 =	vor.u32 $0x3F800000, v54  }
0x171: {  	v60 =	vand.u32 $0x7FFFFF, v56;
	v59 =	vand.u32 $0x7FFFFF, v55;
	v58 =	vmul.f32 $5.000000000e-01, v10  }
0x172: {  	v15 =	vor.u32 $0x3F800000, v57;
	v17 =	vor.u32 $0x3F800000, v59;
	vm12 =	vgt.f32 v10, $1.414213540e+00  }
0x173: {  	v18 =	vor.u32 $0x3F800000, v60;
	v61 =	vmul.f32 $5.000000000e-01, v17;
	v10 =	vsel vm12, v58, v10  }
0x174: {  	v63 =	vmul.f32 $5.000000000e-01, v18;
	vm13 =	vgt.f32 v17, $1.414213540e+00;
	v62 =	vadd.f32 $1.000000000e+00, v10  }
0x175: {  	vm14 =	vgt.f32 v18, $1.414213540e+00;
	v24 =	vmul.f32 $5.000000000e-01, v15;
	v16 =	vsel vm13, v61, v17  }
0x176: {  	v18 =	vsel vm14, v63, v18;
	v25 =	vadd.f32 $1.000000000e+00, v16;
	(erf) = vrcp.f32 v62  }
0x177: {  	v11 =	vadd.f32 v47, v30;
	vm15 =	vgt.f32 v15, $1.414213540e+00;
	v26 =	vadd.f32 $1.000000000e+00, v18  }
0x178: {  	s2 =	sadd.s32 $0xFFFFF390, s1;
	s31 =	sadd.s32 $0xFFFFF380, s1;
	v13 =	vnsel vm1, $0x0, v13;
	v27 =	vsel vm15, v24, v15;
	(erf) = vrcp.f32 v25  }
0x179: {  	p1 =	slt.u32 s2, $0x30D40;
	p0 =	slt.u32 s31, $0x30D40;
	vm1 =	vmmov vm0;
	v15 =	vadd.f32 $1.000000000e+00, v27;
	(erf) = vrcp.f32 v26  }
0x17a: {  	vm11 =	vmneg @p0 vm11;
	v4 =	vadd.f32 v50, v11;
	vm1 =	vmneg @p1 vm1  }
0x17b: {  	v6 =	vadd.f32 $-2.499999940e-03, v6;
	v3 =	vadd.f32 $-2.499999940e-03, v3;
	(erf) = vrcp.f32 v15  }
0x17c: {  	v4 =	vadd.f32 v13, v4;
	v7 =	vadd.f32 $-2.499999940e-03, v7;
	vm7 =	vmand vm11, vm7  }
0x17d: {  	v5 =	vadd.f32 $-2.499999940e-03, v5;
	v6 =	vmul.f32 v6, v6;
	v3 =	vmul.f32 v3, v3  }
0x17e: {  	v28 =	vshrl.u32 v56, $0x17;
	v9 =	vshrl.u32 v53, $0x17;
	v10 =	vadd.f32 $-1.000000000e+00, v10  }
0x17f: {  	v7 =	vmul.f32 v7, v7;
	v12 =	vshrl.u32 v55, $0x17;
	v13 =	vand.u32 $0xFF, v28;
	v29 =	vpop (erf)  }
0x180: {  	v9 =	vand.u32 $0xFF, v9;
	v30 =	vadd.f32 $-1.000000000e+00, v16;
	v10 =	vmul.f32 v29, v10  }
0x181: {  	v5 =	vmul.f32 v5, v5;
	v8 =	vshrl.u32 v52, $0x17;
	v31 =	vadd.f32 $-1.000000000e+00, v18;
	v32 =	vpop (erf)  }
0x182: {  	v12 =	vand.u32 $0xFF, v12;
	v14 =	vmul.f32 v32, v30;
	v34 =	vpop (erf);
	v33 =	vmul.f32 v10, v10  }
0x183: {  	v9 =	vadd.s32 $0xFFFFFF81, v9;
	v11 =	vadd.f32 $-1.000000000e+00, v27;
	v15 =	vmul.f32 v34, v31  }
0x184: {  	v13 =	vadd.s32 $0xFFFFFF81, v13;
	v37 =	vpop (erf);
	v36 =	vmul.f32 v14, v14;
	v35 =	vmul.f32 $2.222222240e-01, v33  }
0x185: {  	v8 =	vand.u32 $0xFF, v8;
	v7 =	vsub.f32 $0.0e+00, v7;
	v11 =	vmul.f32 v37, v11  }
0x186: {  	v39 =	vmul.f32 v15, v15;
	v38 =	vmul.f32 $2.222222240e-01, v36;
	v16 =	vadd.f32 $2.857142980e-01, v35  }
0x187: {  	v12 =	vadd.s32 $0xFFFFFF81, v12;
	v42 =	vsel vm15, $0x3F800000, v2;
	v40 =	vmul.f32 v11, v11  }
0x188: {  	v41 =	vmul.f32 $2.222222240e-01, v39;
	v19 =	vadd.f32 $2.857142980e-01, v38;
	v16 =	vmul.f32 v16, v33  }
0x189: {  	v44 =	vsel vm14, $0x3F800000, v2;
	v9 =	vcvt.s32.f32 v9;
	v43 =	vmul.f32 $2.222222240e-01, v40  }
0x18a: {  	v22 =	vadd.f32 $2.857142980e-01, v41;
	v19 =	vmul.f32 v19, v36;
	v16 =	vadd.f32 $4.000000060e-01, v16  }
0x18b: {  	v13 =	vcvt.s32.f32 v13;
	v5 =	vsub.f32 $0.0e+00, v5;
	v24 =	vadd.f32 $2.857142980e-01, v43  }
0x18c: {  	v22 =	vmul.f32 v22, v39;
	v19 =	vadd.f32 $4.000000060e-01, v19;
	v16 =	vmul.f32 v16, v33  }
0x18d: {  	v8 =	vadd.s32 $0xFFFFFF81, v8;
	v45 =	vsel vm13, $0x3F800000, v2;
	v24 =	vmul.f32 v24, v40  }
0x18e: {  	v22 =	vadd.f32 $4.000000060e-01, v22;
	v19 =	vmul.f32 v19, v36;
	v16 =	vadd.f32 $6.666666860e-01, v16  }
0x18f: {  	v8 =	vcvt.s32.f32 v8;
	v46 =	vsel vm12, $0x3F800000, v2;
	v24 =	vadd.f32 $4.000000060e-01, v24  }
0x190: {  	v48 =	vmul.f32 v22, v39;
	v47 =	vadd.f32 $6.666666860e-01, v19;
	v16 =	vmul.f32 v16, v33  }
0x191: {  	v12 =	vcvt.s32.f32 v12;
	v8 =	vadd.f32 v8, v46;
	v49 =	vmul.f32 v24, v40  }
0x192: {  	v50 =	vadd.f32 $6.666666860e-01, v48;
	v17 =	vmul.f32 v47, v36;
	v16 =	vadd.f32 $2.000000000e+00, v16  }
0x193: {  	v12 =	vadd.f32 v12, v45;
	v8 =	vmul.f32 $6.931471820e-01, v8;
	v51 =	vadd.f32 $6.666666860e-01, v49  }
0x194: {  	v53 =	vmul.f32 v50, v39;
	v52 =	vadd.f32 $2.000000000e+00, v17;
	v10 =	vmul.f32 v16, v10  }
0x195: {  	v13 =	vadd.f32 v13, v44;
	v12 =	vmul.f32 $6.931471820e-01, v12;
	v54 =	vmul.f32 v51, v40  }
0x196: {  	v56 =	vadd.f32 $2.000000000e+00, v53;
	v55 =	vmul.f32 v52, v14;
	v8 =	vadd.f32 v10, v8  }
0x197: {  	v9 =	vadd.f32 v9, v42;
	v13 =	vmul.f32 $6.931471820e-01, v13;
	v57 =	vadd.f32 $2.000000000e+00, v54  }
0x198: {  	v59 =	vmul.f32 v56, v15;
	v58 =	vadd.f32 v55, v12;
	v5 =	vmul.f32 v8, v5  }
0x199: {  	v6 =	vsub.f32 $0.0e+00, v6;
	v9 =	vmul.f32 $6.931471820e-01, v9;
	v11 =	vmul.f32 v57, v11  }
0x19a: {  	v60 =	vadd.f32 v59, v13;
	v7 =	vmul.f32 v58, v7;
	v5 =	vnsel vm7, $0x0, v5  }
0x19b: {  	vm3 =	vmand vm3, vm5;
	v3 =	vsub.f32 $0.0e+00, v3;
	v4 =	vadd.f32 v5, v4  }
0x19c: {  	s1 =	sadd.s32 $0x10, s1;
	v62 =	vadd.f32 v11, v9;
	v6 =	vmul.f32 v60, v6;
	v61 =	vnsel vm3, $0x0, v7  }
0x19d: {  	p0 =	slt.u32 s1, $0x30D40;
	vm1 =	vmand vm1, vm4;
	vm3 =	vmmov vm0;
	v4 =	vadd.f32 v61, v4  }
0x19e: {  	v3 =	vmul.f32 v62, v3;
	vm3 =	vmneg @p0 vm3;
	v63 =	vnsel vm1, $0x0, v6  }
0x19f: {  	vm1 =	vmand vm3, vm2;
	v4 =	vadd.f32 v63, v4  }
0x1a0: {  	v3 =	vnsel vm1, $0x0, v3  }
0x1a1: {  	v3 =	vadd.f32 v3, v4  }
0x1a2: {  	s30 =	sadd.s32 $0x1, s30  }
0x1a3: {  	p0 =	sne.s32 s30, s17;
	[tilespmem:$0x1DF00] =	vst v3  }
.Ltmp4:
0x1a4: {  	_ =	strace $0x9000004E;
	(pc) =	sbr.rel @p0 .LBB2_1-.Ltmp4, $4  }
0x1a5: {  	[hbm4b:s16+s4] =	stream.linear.scatter [tilespmem:s29], [sflag:$0x3], $0x10, $0x38;
	[tilespmem:$0x1F790] =	vst v63  }
0x1a6: {  	_ =	swait.ge [sflag:s25], $0x10  }
0x1a7: {  	[sflag:s25] =	ssyncset.done $0x0  }
0x1a8: {  	[sflag:s25] =	ssyncadd.s32 $0xFFFFFFF0  }
0x1a9: {  	_ =	sfence.sel $0x180000  }
0x1aa: {  	[bflag:$0x0] =	sbarrier.arrive $0xFFFF  }
0x1ab: {  	_ =	strace $0x90000047  }
0x1ac: {  	s0 =	stileid.u32;
	[bflag:$0x2] =	sbarrier.arrive $0xFFFF  }
0x1ad: {  	p0 =	sne.s32 s0, $0x0;
	s0 =	rddreg [dreg:$0x3]  }
0x1ae: {  	s0 =	sadd.s32 @!p0 $0x100000, s0  }
0x1af: {  	[sflag:s0] =	ssyncadd.tile.s32 @!p0 $0x1;
	_ =	shalt  }
.Lfunc_end2:
_tile_overlayer_lowered:
.L_overlay_start_2:
0x1b0: {  	(tag) =	ssettag $0x2  }
0x1b1: {  	s0 =	rddreg [dreg:$0x0];
	s2 =	stileid.u32  }
0x1b2: {  	s1 =	rddreg [dreg:$0x1];
	p0 =	sne.s32 s2, $0x0  }
0x1b3: {  	s3 =	rddreg [dreg:$0x2];
	[bflag:$0x3] =	sbarrier.arrive $0xFFFF;
	s2 =	simm.s32 @!p0 $0x1C03  }
0x1b4: {  	[timem:s3], [sflag:s2] =	dma.local @!p0 [hbm:s0], s1  }
0x1b5: {  	s0 =	simm.s32 @!p0 $0x3  }
0x1b6: {  	_ =	swait.ge @!p0 [sflag:s0], s1  }
0x1b7: {  	s1 =	ssub.s32 @!p0 $0x0, s1;
	[sflag:s0] =	ssyncset.done @!p0 $0x0  }
0x1b8: {  	[sflag:s0] =	ssyncadd.s32 @!p0 s1  }
0x1b9: {  	[bflag:$0x3] =	sbarrier.arrive $0xFFFF  }
0x1ba: {  	_ =	shalt  }

</sc_bundles>
